<compile_context>
chip_gen: v7x
topology: tpu7x:2x2x1
jax: 0.10.2.dev20260603
libtpu: 0.0.44.dev20260713+nightly
codegen_flags: <defaults>
</compile_context>

<pallas_src>
import functools

import jax
import jax.numpy as jnp
from jax import lax
from jax.experimental import pallas as pl
from jax.experimental.pallas import tpu as pltpu
from jax.experimental.pallas import tpu_sc as plsc

S_OUT = 1024
KNN = 32
BIG = 1e10


def _fps_body(xyz_ref, cx_ref, cy_ref, cz_ref):
    B, N = xyz_ref.shape[1], xyz_ref.shape[2]
    x0 = xyz_ref[0]
    x1 = xyz_ref[1]
    x2 = xyz_ref[2]
    iota_n = lax.broadcasted_iota(jnp.int32, (B, N), 1)
    iota_s = lax.broadcasted_iota(jnp.int32, (B, S_OUT), 1)

    def step(i, carry):
        dist, far, cx, cy, cz = carry
        onehot = iota_n == far
        c0 = jnp.sum(jnp.where(onehot, x0, 0.0), axis=1, keepdims=True)
        c1 = jnp.sum(jnp.where(onehot, x1, 0.0), axis=1, keepdims=True)
        c2 = jnp.sum(jnp.where(onehot, x2, 0.0), axis=1, keepdims=True)
        mask = (iota_s == i).astype(jnp.float32)
        cx = cx + mask * c0
        cy = cy + mask * c1
        cz = cz + mask * c2
        d0 = x0 - c0
        d1 = x1 - c1
        d2 = x2 - c2
        d = d0 * d0 + d1 * d1 + d2 * d2
        dist = jnp.minimum(dist, d)
        m = jnp.max(dist, axis=1, keepdims=True)
        far = jnp.min(jnp.where(dist == m, iota_n, N), axis=1, keepdims=True)
        return dist, far, cx, cy, cz

    dist0 = jnp.full((B, N), BIG, dtype=jnp.float32)
    far0 = jnp.zeros((B, 1), dtype=jnp.int32)
    cf0 = jnp.zeros((B, S_OUT), dtype=jnp.float32)
    _, _, cx, cy, cz = lax.fori_loop(
        0, S_OUT, step, (dist0, far0, cf0, cf0, cf0))
    cx_ref[...] = cx
    cy_ref[...] = cy
    cz_ref[...] = cz


def _fps(xyz_r):
    B, N = xyz_r.shape[1], xyz_r.shape[2]
    return pl.pallas_call(
        _fps_body,
        out_shape=(
            jax.ShapeDtypeStruct((B, S_OUT), jnp.float32),
            jax.ShapeDtypeStruct((B, S_OUT), jnp.float32),
            jax.ShapeDtypeStruct((B, S_OUT), jnp.float32),
        ),
    )(xyz_r)


_TS = 256


def _knn_body(nx_ref, xyz_ref, idx_ref):
    N = xyz_ref.shape[1]
    b = pl.program_id(0)
    xb = xyz_ref[0]
    sb = nx_ref[0]
    iota4 = lax.broadcasted_iota(jnp.int32, (N, 4), 1)
    x2 = jnp.sum(xb * xb, axis=1, keepdims=True)
    xb_aug = jnp.where(iota4 == 3, x2, xb)
    iota4s = lax.broadcasted_iota(jnp.int32, (_TS, 4), 1)
    sb_aug = jnp.where(iota4s == 3, 1.0, -2.0 * sb)
    s2 = jnp.sum(sb * sb, axis=1, keepdims=True)
    d = lax.dot_general(sb_aug, xb_aug, (((1,), (1,)), ((), ())),
                        precision=lax.Precision.HIGHEST,
                        preferred_element_type=jnp.float32) + s2
    iota_n = lax.broadcasted_iota(jnp.int32, (_TS, N), 1)
    iota_k = lax.broadcasted_iota(jnp.int32, (_TS, KNN), 1)

    def step(k, carry):
        d, sel = carry
        m = jnp.min(d, axis=1, keepdims=True)
        j = jnp.min(jnp.where(d == m, iota_n, N), axis=1, keepdims=True)
        sel = sel + (iota_k == k).astype(jnp.int32) * j
        d = jnp.where(iota_n == j, BIG, d)
        return d, sel

    sel0 = jnp.zeros((_TS, KNN), dtype=jnp.int32)
    _, sel = lax.fori_loop(0, KNN, step, (d, sel0))
    idx_ref[0] = sel + b * N


def _knn(nxp, xyzp):
    B, N = xyzp.shape[0], xyzp.shape[1]
    grid = (B, S_OUT // _TS)
    return pl.pallas_call(
        _knn_body,
        grid=grid,
        in_specs=[
            pl.BlockSpec((1, _TS, 4), lambda b, s: (b, s, 0)),
            pl.BlockSpec((1, N, 4), lambda b, s: (b, 0, 0)),
        ],
        out_specs=pl.BlockSpec((1, _TS, KNN), lambda b, s: (b, s, 0)),
        out_shape=jax.ShapeDtypeStruct((B, S_OUT, KNN), jnp.int32),
    )(nxp, xyzp)


_CH = 128


def _sc_gather(feat_flat, xyz16, idx_flat):
    M = idx_flat.shape[0]
    DF, DX = feat_flat.shape[1], xyz16.shape[1]
    info = plsc.get_sparse_core_info()
    nc, ns = info.num_cores, info.num_subcores
    nw = nc * ns
    rows_w = M // nw
    n_chunks = rows_w // _CH
    mesh = plsc.VectorSubcoreMesh(core_axis_name="c", subcore_axis_name="s")

    @functools.partial(
        pl.kernel,
        mesh=mesh,
        out_type=(
            jax.ShapeDtypeStruct((M, DF), jnp.float32),
            jax.ShapeDtypeStruct((M, DX), jnp.float32),
        ),
        scratch_types=[
            pltpu.VMEM((_CH,), jnp.int32),
            pltpu.VMEM((_CH,), jnp.int32),
            pltpu.VMEM((_CH, DF), jnp.float32),
            pltpu.VMEM((_CH, DF), jnp.float32),
            pltpu.VMEM((_CH, DX), jnp.float32),
            pltpu.VMEM((_CH, DX), jnp.float32),
            pltpu.SemaphoreType.DMA,
            pltpu.SemaphoreType.DMA,
            pltpu.SemaphoreType.DMA,
            pltpu.SemaphoreType.DMA,
        ],
        compiler_params=pltpu.CompilerParams(use_tc_tiling_on_sc=False),
    )
    def k(feat_hbm, xyz_hbm, idx_hbm, of_hbm, ox_hbm,
          ia, ib, fa, fb, xa, xb, sem_i, sem_ga, sem_gb, sem_s):
        wid = lax.axis_index("s") * nc + lax.axis_index("c")
        base = wid * rows_w

        def load_idx(start, iref):
            return pltpu.async_copy(idx_hbm.at[pl.ds(start, _CH)], iref, sem_i)

        def gathers(iref, fref, xref, sem):
            g1 = pltpu.async_copy(feat_hbm.at[iref], fref, sem)
            g2 = pltpu.async_copy(xyz_hbm.at[iref], xref, sem)
            return g1, g2

        def stores(start, fref, xref):
            s1 = pltpu.async_copy(fref, of_hbm.at[pl.ds(start, _CH)], sem_s)
            s2 = pltpu.async_copy(xref, ox_hbm.at[pl.ds(start, _CH)], sem_s)
            return s1, s2

        def pair(ci, _):
            sa = pl.multiple_of(base + (2 * ci) * _CH, _CH)
            sb = pl.multiple_of(base + (2 * ci + 1) * _CH, _CH)
            la = load_idx(sa, ia)
            lb = load_idx(sb, ib)
            la.wait()
            ga = gathers(ia, fa, xa, sem_ga)
            lb.wait()
            gb = gathers(ib, fb, xb, sem_gb)
            ga[0].wait()
            ga[1].wait()
            st_a = stores(sa, fa, xa)
            gb[0].wait()
            gb[1].wait()
            st_b = stores(sb, fb, xb)
            st_a[0].wait()
            st_a[1].wait()
            st_b[0].wait()
            st_b[1].wait()
            return 0

        lax.fori_loop(0, n_chunks // 2, pair, 0)

    return k(feat_flat, xyz16, idx_flat)


_RT1 = 4096


def _y1_tile(xf_ref, xx_ref, nx_ref, wf_ref, wx_ref):
    T = xf_ref.shape[0]
    G = T // KNN
    xx = xx_ref[...].reshape(G, KNN, 16) - nx_ref[...][:, None, :]
    y = lax.dot_general(xf_ref[...], wf_ref[...], (((1,), (1,)), ((), ())),
                        preferred_element_type=jnp.float32)
    y += lax.dot_general(xx.reshape(T, 16), wx_ref[...],
                         (((1,), (1,)), ((), ())),
                         preferred_element_type=jnp.float32)
    return y


def _stats1_body(xf_ref, xx_ref, nx_ref, wf_ref, wx_ref, gb_ref,
                 a1_ref, c1_ref, s_ref, ss_ref):
    i = pl.program_id(0)
    n = pl.num_programs(0)

    @pl.when(i == 0)
    def _():
        s_ref[...] = jnp.zeros_like(s_ref)
        ss_ref[...] = jnp.zeros_like(ss_ref)

    y = _y1_tile(xf_ref, xx_ref, nx_ref, wf_ref, wx_ref)
    s_ref[...] += jnp.sum(y, axis=0, keepdims=True)
    ss_ref[...] += jnp.sum(y * y, axis=0, keepdims=True)

    @pl.when(i == n - 1)
    def _():
        m = jnp.float32(n * _RT1)
        mu = s_ref[...] / m
        var = ss_ref[...] / m - mu * mu
        rstd = lax.rsqrt(var + 1e-5)
        a1 = gb_ref[0:1, :] * rstd
        a1_ref[...] = a1
        c1_ref[...] = gb_ref[1:2, :] - mu * a1


def _stats1(xf, xx, nxp16, w1f, w1x, g1b1):
    M = xf.shape[0]
    C1 = w1f.shape[0]
    grid = (M // _RT1,)
    return pl.pallas_call(
        _stats1_body,
        grid=grid,
        in_specs=[
            pl.BlockSpec((_RT1, xf.shape[1]), lambda i: (i, 0)),
            pl.BlockSpec((_RT1, 16), lambda i: (i, 0)),
            pl.BlockSpec((_RT1 // KNN, 16), lambda i: (i, 0)),
            pl.BlockSpec(w1f.shape, lambda i: (0, 0)),
            pl.BlockSpec(w1x.shape, lambda i: (0, 0)),
            pl.BlockSpec(g1b1.shape, lambda i: (0, 0)),
        ],
        out_specs=(
            pl.BlockSpec((1, C1), lambda i: (0, 0)),
            pl.BlockSpec((1, C1), lambda i: (0, 0)),
        ),
        out_shape=(
            jax.ShapeDtypeStruct((1, C1), jnp.float32),
            jax.ShapeDtypeStruct((1, C1), jnp.float32),
        ),
        scratch_shapes=[
            pltpu.VMEM((1, C1), jnp.float32),
            pltpu.VMEM((1, C1), jnp.float32),
        ],
        compiler_params=pltpu.CompilerParams(
            dimension_semantics=("arbitrary",)),
    )(xf, xx, nxp16, w1f, w1x, g1b1)


_RT2 = 2048


def _main_body(xf_ref, xx_ref, nx_ref, wf_ref, wx_ref, a1_ref, c1_ref,
               w2_ref, gb2_ref,
               mx_ref, mn_ref, a2_ref, c2_ref, s_ref, ss_ref):
    i = pl.program_id(0)
    n = pl.num_programs(0)

    @pl.when(i == 0)
    def _():
        s_ref[...] = jnp.zeros_like(s_ref)
        ss_ref[...] = jnp.zeros_like(ss_ref)

    y1 = _y1_tile(xf_ref, xx_ref, nx_ref, wf_ref, wx_ref)
    z1 = jnp.maximum(y1 * a1_ref[...] + c1_ref[...], 0.0)
    y2 = lax.dot_general(z1, w2_ref[...], (((1,), (1,)), ((), ())),
                         preferred_element_type=jnp.float32)
    s_ref[...] += jnp.sum(y2, axis=0, keepdims=True)
    ss_ref[...] += jnp.sum(y2 * y2, axis=0, keepdims=True)
    C2 = y2.shape[1]
    y3 = y2.reshape(_RT2 // KNN, KNN, C2)
    mx_ref[...] = jnp.max(y3, axis=1)
    mn_ref[...] = jnp.min(y3, axis=1)

    @pl.when(i == n - 1)
    def _():
        m = jnp.float32(n * _RT2)
        mu = s_ref[...] / m
        var = ss_ref[...] / m - mu * mu
        rstd = lax.rsqrt(var + 1e-5)
        a2 = gb2_ref[0:1, :] * rstd
        a2_ref[...] = a2
        c2_ref[...] = gb2_ref[1:2, :] - mu * a2


def _main(xf, xx, nxp16, w1f, w1x, a1, c1, w2, g2b2):
    M, C0 = xf.shape
    C1 = w1f.shape[0]
    C2 = w2.shape[0]
    grid = (M // _RT2,)
    G = _RT2 // KNN
    return pl.pallas_call(
        _main_body,
        grid=grid,
        in_specs=[
            pl.BlockSpec((_RT2, C0), lambda i: (i, 0)),
            pl.BlockSpec((_RT2, 16), lambda i: (i, 0)),
            pl.BlockSpec((G, 16), lambda i: (i, 0)),
            pl.BlockSpec((C1, C0), lambda i: (0, 0)),
            pl.BlockSpec((C1, 16), lambda i: (0, 0)),
            pl.BlockSpec((1, C1), lambda i: (0, 0)),
            pl.BlockSpec((1, C1), lambda i: (0, 0)),
            pl.BlockSpec((C2, C1), lambda i: (0, 0)),
            pl.BlockSpec((2, C2), lambda i: (0, 0)),
        ],
        out_specs=(
            pl.BlockSpec((G, C2), lambda i: (i, 0)),
            pl.BlockSpec((G, C2), lambda i: (i, 0)),
            pl.BlockSpec((1, C2), lambda i: (0, 0)),
            pl.BlockSpec((1, C2), lambda i: (0, 0)),
        ),
        out_shape=(
            jax.ShapeDtypeStruct((M // KNN, C2), jnp.float32),
            jax.ShapeDtypeStruct((M // KNN, C2), jnp.float32),
            jax.ShapeDtypeStruct((1, C2), jnp.float32),
            jax.ShapeDtypeStruct((1, C2), jnp.float32),
        ),
        scratch_shapes=[
            pltpu.VMEM((1, C2), jnp.float32),
            pltpu.VMEM((1, C2), jnp.float32),
        ],
        compiler_params=pltpu.CompilerParams(
            dimension_semantics=("arbitrary",)),
    )(xf, xx, nxp16, w1f, w1x, a1, c1, w2, g2b2)


_RT3 = 1024


def _finish_body(mx_ref, mn_ref, a2_ref, c2_ref, o_ref):
    a2 = a2_ref[...]
    picked = jnp.where(a2 >= 0.0, mx_ref[...], mn_ref[...])
    o_ref[...] = jnp.maximum(picked * a2 + c2_ref[...], 0.0)


def _finish(mx, mn, a2, c2):
    G, C2 = mx.shape
    grid = (G // _RT3,)
    return pl.pallas_call(
        _finish_body,
        grid=grid,
        in_specs=[
            pl.BlockSpec((_RT3, C2), lambda i: (i, 0)),
            pl.BlockSpec((_RT3, C2), lambda i: (i, 0)),
            pl.BlockSpec((1, C2), lambda i: (0, 0)),
            pl.BlockSpec((1, C2), lambda i: (0, 0)),
        ],
        out_specs=pl.BlockSpec((_RT3, C2), lambda i: (i, 0)),
        out_shape=jax.ShapeDtypeStruct((G, C2), jnp.float32),
    )(mx, mn, a2, c2)


def kernel(xyz, features, W1, b1, gamma1, beta1, W2, b2, gamma2, beta2):
    B, N, _ = xyz.shape
    D = features.shape[2]
    C1, C0 = W1.shape
    C2 = W2.shape[0]
    C0P = 144

    xyz_r = jnp.transpose(xyz, (2, 0, 1))
    cx, cy, cz = _fps(xyz_r)
    new_xyz = jnp.stack([cx, cy, cz], axis=-1)

    zeros_b1 = jnp.zeros((B, S_OUT, 1), jnp.float32)
    nxp = jnp.concatenate([new_xyz, zeros_b1], axis=-1)
    xyzp = jnp.concatenate([xyz, jnp.zeros((B, N, 1), jnp.float32)], axis=-1)
    idx = _knn(nxp, xyzp)
    idx_flat = idx.reshape(-1)

    feat_flat = features.reshape(B * N, D)
    xyz16 = jnp.concatenate(
        [xyz, jnp.zeros((B, N, 13), jnp.float32)], axis=-1).reshape(B * N, 16)
    xg_f, xg_x = _sc_gather(feat_flat, xyz16, idx_flat)

    nxp16 = jnp.concatenate(
        [new_xyz.reshape(B * S_OUT, 3),
         jnp.zeros((B * S_OUT, 13), jnp.float32)], axis=-1)
    w1f = W1[:, 3:]
    w1x = jnp.concatenate(
        [W1[:, :3], jnp.zeros((C1, 13), jnp.float32)], axis=1)
    g1b1 = jnp.stack([gamma1, beta1])
    g2b2 = jnp.stack([gamma2, beta2])
    a1, c1 = _stats1(xg_f, xg_x, nxp16, w1f, w1x, g1b1)
    mx, mn, a2, c2 = _main(xg_f, xg_x, nxp16, w1f, w1x, a1, c1, W2, g2b2)
    xout = _finish(mx, mn, a2, c2).reshape(B, S_OUT, C2)
    return (new_xyz, xout)

# --- scband reference (transcript-rebuilt; emitter-appended) ---
"""Pipeline reference for scband-transition-down-19610820674066 (READ-ONLY COPY).

The authoritative reference and input builder live on the scoring server;
editing this copy changes nothing except your own understanding.
"""

import jax, jax.numpy as jnp
import numpy as np

N_POINTS_FPS = 1024
K = 32

def farthest_point_sample(xyz, n_points):
    B, N, C = xyz.shape
    centroids0 = jnp.zeros((B, n_points), dtype=jnp.int32)
    distance0 = jnp.full((B, N), 1e10, dtype=xyz.dtype)
    farthest0 = jnp.zeros((B,), dtype=jnp.int32)
    def body(i, state):
        centroids, distance, farthest = state
        centroids = centroids.at[:, i].set(farthest)
        centroid = jnp.take_along_axis(xyz, farthest[:, None, None], axis=1)
        dist = jnp.sum((xyz - centroid) ** 2, -1)
        distance = jnp.minimum(distance, dist)
        farthest = jnp.argmax(distance, -1).astype(jnp.int32)
        return (centroids, distance, farthest)
    centroids, _, _ = jax.lax.fori_loop(0, n_points, body, (centroids0, distance0, farthest0))
    return centroids

def index_points(points, idx):
    raw = idx.shape
    idx2 = idx.reshape(raw[0], -1)
    res = jnp.take_along_axis(points, idx2[..., None], axis=1)
    return res.reshape(*raw, points.shape[-1])

def square_distance(src, dst):
    return jnp.sum((src[:, :, None, :] - dst[:, None, :, :]) ** 2, axis=-1)

def batchnorm2d(x, gamma, beta, eps=1e-5):
    mean = jnp.mean(x, axis=(0, 2, 3), keepdims=True)
    var = jnp.var(x, axis=(0, 2, 3), keepdims=True)
    xhat = (x - mean) / jnp.sqrt(var + eps)
    return xhat * gamma[None, :, None, None] + beta[None, :, None, None]

def setup_inputs(seed: int = 0):
    key = jax.random.key(seed)
    ks = jax.random.split(key, 6)
    B, N, D = 8, 4096, 128
    C0, C1, C2 = 3 + D, 256, 512
    inp = {}
    inp["xyz"] = jax.random.normal(ks[0], (B, N, 3), dtype=jnp.float32)
    inp["features"] = jax.random.normal(ks[1], (B, N, D), dtype=jnp.float32)
    inp["W1"] = jax.random.normal(ks[2], (C1, C0), dtype=jnp.float32) * 0.05
    inp["b1"] = jnp.zeros((C1,), dtype=jnp.float32)
    inp["gamma1"] = jnp.ones((C1,), dtype=jnp.float32)
    inp["beta1"] = jnp.zeros((C1,), dtype=jnp.float32)
    inp["W2"] = jax.random.normal(ks[3], (C2, C1), dtype=jnp.float32) * 0.05
    inp["b2"] = jnp.zeros((C2,), dtype=jnp.float32)
    inp["gamma2"] = jnp.ones((C2,), dtype=jnp.float32)
    inp["beta2"] = jnp.zeros((C2,), dtype=jnp.float32)
    return inp

def reference(xyz, features, W1, b1, gamma1, beta1, W2, b2, gamma2, beta2):
    B, N, C = xyz.shape
    S = N_POINTS_FPS
    fps_idx = farthest_point_sample(jax.lax.stop_gradient(xyz), S)
    new_xyz = index_points(xyz, fps_idx)
    dists = square_distance(jax.lax.stop_gradient(new_xyz), jax.lax.stop_gradient(xyz))
    idx = jnp.argsort(dists, axis=-1)[:, :, :K]
    grouped_xyz = index_points(xyz, idx)
    grouped_xyz_norm = grouped_xyz - new_xyz[:, :, None, :]
    grouped_points = index_points(features, idx)
    new_points = jnp.concatenate([grouped_xyz_norm, grouped_points], axis=-1)
    x = jnp.transpose(new_points, (0, 3, 2, 1))
    x = jnp.einsum('oc,bcks->boks', W1, x) + b1[None, :, None, None]
    x = jax.nn.relu(batchnorm2d(x, gamma1, beta1))
    x = jnp.einsum('oc,bcks->boks', W2, x) + b2[None, :, None, None]
    x = jax.nn.relu(batchnorm2d(x, gamma2, beta2))
    x = jnp.max(x, axis=2)
    x = jnp.transpose(x, (0, 2, 1))
    return (new_xyz, x)

if __name__ == "__main__":
    import jax
    _d = setup_inputs()
    print(jax.jit(kernel)(*tuple(_d.values())))

</pallas_src>

<mosaic_0001>
#map = affine_map<(d0, d1) -> (0, 0)>
#map1 = affine_map<(d0, d1) -> (0)>
module attributes {stable_mosaic.version = 14 : i64} {
  func.func @k(%arg0: i32, %arg1: i32, %arg2: memref<32768x128xf32, #tpu.memory_space<hbm>>, %arg3: memref<32768x16xf32, #tpu.memory_space<hbm>>, %arg4: memref<262144xi32, #tpu.memory_space<hbm>>, %arg5: memref<262144x128xf32, #tpu.memory_space<hbm>>, %arg6: memref<262144x16xf32, #tpu.memory_space<hbm>>, %arg7: memref<128xi32, #tpu.memory_space<vmem>>, %arg8: memref<128xi32, #tpu.memory_space<vmem>>, %arg9: memref<128x128xf32, #tpu.memory_space<vmem>>, %arg10: memref<128x128xf32, #tpu.memory_space<vmem>>, %arg11: memref<128x16xf32, #tpu.memory_space<vmem>>, %arg12: memref<128x16xf32, #tpu.memory_space<vmem>>, %arg13: memref<!tpu.dma_semaphore, #tpu.memory_space<semaphore_mem>>, %arg14: memref<!tpu.dma_semaphore, #tpu.memory_space<semaphore_mem>>, %arg15: memref<!tpu.dma_semaphore, #tpu.memory_space<semaphore_mem>>, %arg16: memref<!tpu.dma_semaphore, #tpu.memory_space<semaphore_mem>>) attributes {dimension_semantics = [#tpu.dimension_semantics<core_parallel>, #tpu.dimension_semantics<subcore_parallel>], iteration_bounds = array<i64: 2, 16>, scalar_prefetch = 0 : i64, scratch_operands = 10 : i64, tpu.core_type = #tpu.core_type<sc_vector_subcore>, window_params = [{transform_indices = #map}, {transform_indices = #map}, {transform_indices = #map1}, {transform_indices = #map}, {transform_indices = #map}]} {
    %mul3A = arith.constant 2 : i32
    %mul3A_0 = arith.muli %arg1, %mul3A : i32
    %add3A = arith.addi %mul3A_0, %arg0 : i32
    %mul3A_1 = arith.constant 8192 : i32
    %mul3A_2 = arith.muli %add3A, %mul3A_1 : i32
    %scan3A = arith.constant 0 : i32
    %scan3A_3 = arith.constant 0 : i32
    %scan3A_4 = arith.constant 32 : i32
    %scan3A_5 = arith.addi %scan3A_3, %scan3A_4 : i32
    %scan3A_6 = arith.constant 1 : i32
    %scan3A_7 = scf.for %scan3A_9 = %scan3A_3 to %scan3A_5 step %scan3A_6 iter_args(%scan3A_10 = %scan3A) -> (i32)  : i32 {
      %mul3A_11 = arith.constant 2 : i32
      %mul3A_12 = arith.muli %mul3A_11, %scan3A_9 : i32
      %mul3A_13 = arith.constant 128 : i32
      %mul3A_14 = arith.muli %mul3A_12, %mul3A_13 : i32
      %add3A_15 = arith.addi %mul3A_2, %mul3A_14 : i32
      %multiple_of3A = tpu.assume_multiple %add3A_15, 128 : i32
      %mul3A_16 = arith.constant 2 : i32
      %mul3A_17 = arith.muli %mul3A_16, %scan3A_9 : i32
      %add3A_18 = arith.constant 1 : i32
      %add3A_19 = arith.addi %mul3A_17, %add3A_18 : i32
      %mul3A_20 = arith.constant 128 : i32
      %mul3A_21 = arith.muli %add3A_19, %mul3A_20 : i32
      %add3A_22 = arith.addi %mul3A_2, %mul3A_21 : i32
      %multiple_of3A_23 = tpu.assume_multiple %add3A_22, 128 : i32
      %dma_start3A = tpu.memref_slice %arg4[%multiple_of3A] : memref<262144xi32, #tpu.memory_space<hbm>> -> memref<128xi32, #tpu.memory_space<hbm>>
      %dma_start3A_24 = tpu.memref_slice %arg4[%multiple_of3A] : memref<262144xi32, #tpu.memory_space<hbm>> -> memref<128xi32, #tpu.memory_space<hbm>>
      tpu.enqueue_dma source(%dma_start3A_24 : memref<128xi32, #tpu.memory_space<hbm>>) target(%arg7 : memref<128xi32, #tpu.memory_space<vmem>>) target_semaphore(%arg13 : memref<!tpu.dma_semaphore, #tpu.memory_space<semaphore_mem>>)
      %dma_start3A_25 = tpu.memref_slice %arg4[%multiple_of3A_23] : memref<262144xi32, #tpu.memory_space<hbm>> -> memref<128xi32, #tpu.memory_space<hbm>>
      %dma_start3A_26 = tpu.memref_slice %arg4[%multiple_of3A_23] : memref<262144xi32, #tpu.memory_space<hbm>> -> memref<128xi32, #tpu.memory_space<hbm>>
      tpu.enqueue_dma source(%dma_start3A_26 : memref<128xi32, #tpu.memory_space<hbm>>) target(%arg8 : memref<128xi32, #tpu.memory_space<vmem>>) target_semaphore(%arg13 : memref<!tpu.dma_semaphore, #tpu.memory_space<semaphore_mem>>)
      %dma_wait3A = tpu.memref_slice %arg4[%multiple_of3A] : memref<262144xi32, #tpu.memory_space<hbm>> -> memref<128xi32, #tpu.memory_space<hbm>>
      %dma_wait3A_27 = tpu.memref_slice %arg4[%multiple_of3A] : memref<262144xi32, #tpu.memory_space<hbm>> -> memref<128xi32, #tpu.memory_space<hbm>>
      tpu.wait_dma2 semaphore(%arg13 : memref<!tpu.dma_semaphore, #tpu.memory_space<semaphore_mem>>) src(%dma_wait3A_27 : memref<128xi32, #tpu.memory_space<hbm>>) dst(%arg7 : memref<128xi32, #tpu.memory_space<vmem>>)
      %dma_start3A_28 = arith.constant 0 : i32
      %dma_start3A_29 = arith.constant 0 : i32
      %dma_start3A_30 = tpu.memref_slice %arg2[%dma_start3A_28, %dma_start3A_29] : memref<32768x128xf32, #tpu.memory_space<hbm>> -> memref<32768x128xf32, #tpu.memory_space<hbm>>
      tpu.enqueue_indirect_dma source(%dma_start3A_30 : memref<32768x128xf32, #tpu.memory_space<hbm>>) target(%arg9 : memref<128x128xf32, #tpu.memory_space<vmem>>) offsets(%arg7 : memref<128xi32, #tpu.memory_space<vmem>>) semaphore(%arg14 : memref<!tpu.dma_semaphore, #tpu.memory_space<semaphore_mem>>)
      %dma_start3A_31 = arith.constant 0 : i32
      %dma_start3A_32 = arith.constant 0 : i32
      %dma_start3A_33 = tpu.memref_slice %arg3[%dma_start3A_31, %dma_start3A_32] : memref<32768x16xf32, #tpu.memory_space<hbm>> -> memref<32768x16xf32, #tpu.memory_space<hbm>>
      tpu.enqueue_indirect_dma source(%dma_start3A_33 : memref<32768x16xf32, #tpu.memory_space<hbm>>) target(%arg11 : memref<128x16xf32, #tpu.memory_space<vmem>>) offsets(%arg7 : memref<128xi32, #tpu.memory_space<vmem>>) semaphore(%arg14 : memref<!tpu.dma_semaphore, #tpu.memory_space<semaphore_mem>>)
      %dma_wait3A_34 = tpu.memref_slice %arg4[%multiple_of3A_23] : memref<262144xi32, #tpu.memory_space<hbm>> -> memref<128xi32, #tpu.memory_space<hbm>>
      %dma_wait3A_35 = tpu.memref_slice %arg4[%multiple_of3A_23] : memref<262144xi32, #tpu.memory_space<hbm>> -> memref<128xi32, #tpu.memory_space<hbm>>
      tpu.wait_dma2 semaphore(%arg13 : memref<!tpu.dma_semaphore, #tpu.memory_space<semaphore_mem>>) src(%dma_wait3A_35 : memref<128xi32, #tpu.memory_space<hbm>>) dst(%arg8 : memref<128xi32, #tpu.memory_space<vmem>>)
      %dma_start3A_36 = arith.constant 0 : i32
      %dma_start3A_37 = arith.constant 0 : i32
      %dma_start3A_38 = tpu.memref_slice %arg2[%dma_start3A_36, %dma_start3A_37] : memref<32768x128xf32, #tpu.memory_space<hbm>> -> memref<32768x128xf32, #tpu.memory_space<hbm>>
      tpu.enqueue_indirect_dma source(%dma_start3A_38 : memref<32768x128xf32, #tpu.memory_space<hbm>>) target(%arg10 : memref<128x128xf32, #tpu.memory_space<vmem>>) offsets(%arg8 : memref<128xi32, #tpu.memory_space<vmem>>) semaphore(%arg15 : memref<!tpu.dma_semaphore, #tpu.memory_space<semaphore_mem>>)
      %dma_start3A_39 = arith.constant 0 : i32
      %dma_start3A_40 = arith.constant 0 : i32
      %dma_start3A_41 = tpu.memref_slice %arg3[%dma_start3A_39, %dma_start3A_40] : memref<32768x16xf32, #tpu.memory_space<hbm>> -> memref<32768x16xf32, #tpu.memory_space<hbm>>
      tpu.enqueue_indirect_dma source(%dma_start3A_41 : memref<32768x16xf32, #tpu.memory_space<hbm>>) target(%arg12 : memref<128x16xf32, #tpu.memory_space<vmem>>) offsets(%arg8 : memref<128xi32, #tpu.memory_space<vmem>>) semaphore(%arg15 : memref<!tpu.dma_semaphore, #tpu.memory_space<semaphore_mem>>)
      %dma_wait3A_42 = arith.constant 0 : i32
      %dma_wait3A_43 = arith.constant 0 : i32
      %dma_wait3A_44 = tpu.memref_slice %arg2[%dma_wait3A_42, %dma_wait3A_43] : memref<32768x128xf32, #tpu.memory_space<hbm>> -> memref<32768x128xf32, #tpu.memory_space<hbm>>
      tpu.wait_indirect_dma semaphore(%arg14 : memref<!tpu.dma_semaphore, #tpu.memory_space<semaphore_mem>>) src(%dma_wait3A_44 : memref<32768x128xf32, #tpu.memory_space<hbm>>) dst(%arg9 : memref<128x128xf32, #tpu.memory_space<vmem>>)
      %dma_wait3A_45 = arith.constant 0 : i32
      %dma_wait3A_46 = arith.constant 0 : i32
      %dma_wait3A_47 = tpu.memref_slice %arg3[%dma_wait3A_45, %dma_wait3A_46] : memref<32768x16xf32, #tpu.memory_space<hbm>> -> memref<32768x16xf32, #tpu.memory_space<hbm>>
      tpu.wait_indirect_dma semaphore(%arg14 : memref<!tpu.dma_semaphore, #tpu.memory_space<semaphore_mem>>) src(%dma_wait3A_47 : memref<32768x16xf32, #tpu.memory_space<hbm>>) dst(%arg11 : memref<128x16xf32, #tpu.memory_space<vmem>>)
      %dma_start3A_48 = arith.constant 0 : i32
      %dma_start3A_49 = tpu.memref_slice %arg5[%multiple_of3A, %dma_start3A_48] : memref<262144x128xf32, #tpu.memory_space<hbm>> -> memref<128x128xf32, #tpu.memory_space<hbm>>
      %dma_start3A_50 = arith.constant 0 : i32
      %dma_start3A_51 = tpu.memref_slice %arg5[%multiple_of3A, %dma_start3A_50] : memref<262144x128xf32, #tpu.memory_space<hbm>> -> memref<128x128xf32, #tpu.memory_space<hbm>>
      tpu.enqueue_dma source(%arg9 : memref<128x128xf32, #tpu.memory_space<vmem>>) target(%dma_start3A_51 : memref<128x128xf32, #tpu.memory_space<hbm>>) target_semaphore(%arg16 : memref<!tpu.dma_semaphore, #tpu.memory_space<semaphore_mem>>)
      %dma_start3A_52 = arith.constant 0 : i32
      %dma_start3A_53 = tpu.memref_slice %arg6[%multiple_of3A, %dma_start3A_52] : memref<262144x16xf32, #tpu.memory_space<hbm>> -> memref<128x16xf32, #tpu.memory_space<hbm>>
      %dma_start3A_54 = arith.constant 0 : i32
      %dma_start3A_55 = tpu.memref_slice %arg6[%multiple_of3A, %dma_start3A_54] : memref<262144x16xf32, #tpu.memory_space<hbm>> -> memref<128x16xf32, #tpu.memory_space<hbm>>
      tpu.enqueue_dma source(%arg11 : memref<128x16xf32, #tpu.memory_space<vmem>>) target(%dma_start3A_55 : memref<128x16xf32, #tpu.memory_space<hbm>>) target_semaphore(%arg16 : memref<!tpu.dma_semaphore, #tpu.memory_space<semaphore_mem>>)
      %dma_wait3A_56 = arith.constant 0 : i32
      %dma_wait3A_57 = arith.constant 0 : i32
      %dma_wait3A_58 = tpu.memref_slice %arg2[%dma_wait3A_56, %dma_wait3A_57] : memref<32768x128xf32, #tpu.memory_space<hbm>> -> memref<32768x128xf32, #tpu.memory_space<hbm>>
      tpu.wait_indirect_dma semaphore(%arg15 : memref<!tpu.dma_semaphore, #tpu.memory_space<semaphore_mem>>) src(%dma_wait3A_58 : memref<32768x128xf32, #tpu.memory_space<hbm>>) dst(%arg10 : memref<128x128xf32, #tpu.memory_space<vmem>>)
      %dma_wait3A_59 = arith.constant 0 : i32
      %dma_wait3A_60 = arith.constant 0 : i32
      %dma_wait3A_61 = tpu.memref_slice %arg3[%dma_wait3A_59, %dma_wait3A_60] : memref<32768x16xf32, #tpu.memory_space<hbm>> -> memref<32768x16xf32, #tpu.memory_space<hbm>>
      tpu.wait_indirect_dma semaphore(%arg15 : memref<!tpu.dma_semaphore, #tpu.memory_space<semaphore_mem>>) src(%dma_wait3A_61 : memref<32768x16xf32, #tpu.memory_space<hbm>>) dst(%arg12 : memref<128x16xf32, #tpu.memory_space<vmem>>)
      %dma_start3A_62 = arith.constant 0 : i32
      %dma_start3A_63 = tpu.memref_slice %arg5[%multiple_of3A_23, %dma_start3A_62] : memref<262144x128xf32, #tpu.memory_space<hbm>> -> memref<128x128xf32, #tpu.memory_space<hbm>>
      %dma_start3A_64 = arith.constant 0 : i32
      %dma_start3A_65 = tpu.memref_slice %arg5[%multiple_of3A_23, %dma_start3A_64] : memref<262144x128xf32, #tpu.memory_space<hbm>> -> memref<128x128xf32, #tpu.memory_space<hbm>>
      tpu.enqueue_dma source(%arg10 : memref<128x128xf32, #tpu.memory_space<vmem>>) target(%dma_start3A_65 : memref<128x128xf32, #tpu.memory_space<hbm>>) target_semaphore(%arg16 : memref<!tpu.dma_semaphore, #tpu.memory_space<semaphore_mem>>)
      %dma_start3A_66 = arith.constant 0 : i32
      %dma_start3A_67 = tpu.memref_slice %arg6[%multiple_of3A_23, %dma_start3A_66] : memref<262144x16xf32, #tpu.memory_space<hbm>> -> memref<128x16xf32, #tpu.memory_space<hbm>>
      %dma_start3A_68 = arith.constant 0 : i32
      %dma_start3A_69 = tpu.memref_slice %arg6[%multiple_of3A_23, %dma_start3A_68] : memref<262144x16xf32, #tpu.memory_space<hbm>> -> memref<128x16xf32, #tpu.memory_space<hbm>>
      tpu.enqueue_dma source(%arg12 : memref<128x16xf32, #tpu.memory_space<vmem>>) target(%dma_start3A_69 : memref<128x16xf32, #tpu.memory_space<hbm>>) target_semaphore(%arg16 : memref<!tpu.dma_semaphore, #tpu.memory_space<semaphore_mem>>)
      %dma_wait3A_70 = arith.constant 0 : i32
      %dma_wait3A_71 = tpu.memref_slice %arg5[%multiple_of3A, %dma_wait3A_70] : memref<262144x128xf32, #tpu.memory_space<hbm>> -> memref<128x128xf32, #tpu.memory_space<hbm>>
      %dma_wait3A_72 = arith.constant 0 : i32
      %dma_wait3A_73 = tpu.memref_slice %arg5[%multiple_of3A, %dma_wait3A_72] : memref<262144x128xf32, #tpu.memory_space<hbm>> -> memref<128x128xf32, #tpu.memory_space<hbm>>
      tpu.wait_dma2 semaphore(%arg16 : memref<!tpu.dma_semaphore, #tpu.memory_space<semaphore_mem>>) src(%arg9 : memref<128x128xf32, #tpu.memory_space<vmem>>) dst(%dma_wait3A_73 : memref<128x128xf32, #tpu.memory_space<hbm>>)
      %dma_wait3A_74 = arith.constant 0 : i32
      %dma_wait3A_75 = tpu.memref_slice %arg6[%multiple_of3A, %dma_wait3A_74] : memref<262144x16xf32, #tpu.memory_space<hbm>> -> memref<128x16xf32, #tpu.memory_space<hbm>>
      %dma_wait3A_76 = arith.constant 0 : i32
      %dma_wait3A_77 = tpu.memref_slice %arg6[%multiple_of3A, %dma_wait3A_76] : memref<262144x16xf32, #tpu.memory_space<hbm>> -> memref<128x16xf32, #tpu.memory_space<hbm>>
      tpu.wait_dma2 semaphore(%arg16 : memref<!tpu.dma_semaphore, #tpu.memory_space<semaphore_mem>>) src(%arg11 : memref<128x16xf32, #tpu.memory_space<vmem>>) dst(%dma_wait3A_77 : memref<128x16xf32, #tpu.memory_space<hbm>>)
      %dma_wait3A_78 = arith.constant 0 : i32
      %dma_wait3A_79 = tpu.memref_slice %arg5[%multiple_of3A_23, %dma_wait3A_78] : memref<262144x128xf32, #tpu.memory_space<hbm>> -> memref<128x128xf32, #tpu.memory_space<hbm>>
      %dma_wait3A_80 = arith.constant 0 : i32
      %dma_wait3A_81 = tpu.memref_slice %arg5[%multiple_of3A_23, %dma_wait3A_80] : memref<262144x128xf32, #tpu.memory_space<hbm>> -> memref<128x128xf32, #tpu.memory_space<hbm>>
      tpu.wait_dma2 semaphore(%arg16 : memref<!tpu.dma_semaphore, #tpu.memory_space<semaphore_mem>>) src(%arg10 : memref<128x128xf32, #tpu.memory_space<vmem>>) dst(%dma_wait3A_81 : memref<128x128xf32, #tpu.memory_space<hbm>>)
      %dma_wait3A_82 = arith.constant 0 : i32
      %dma_wait3A_83 = tpu.memref_slice %arg6[%multiple_of3A_23, %dma_wait3A_82] : memref<262144x16xf32, #tpu.memory_space<hbm>> -> memref<128x16xf32, #tpu.memory_space<hbm>>
      %dma_wait3A_84 = arith.constant 0 : i32
      %dma_wait3A_85 = tpu.memref_slice %arg6[%multiple_of3A_23, %dma_wait3A_84] : memref<262144x16xf32, #tpu.memory_space<hbm>> -> memref<128x16xf32, #tpu.memory_space<hbm>>
      tpu.wait_dma2 semaphore(%arg16 : memref<!tpu.dma_semaphore, #tpu.memory_space<semaphore_mem>>) src(%arg12 : memref<128x16xf32, #tpu.memory_space<vmem>>) dst(%dma_wait3A_85 : memref<128x16xf32, #tpu.memory_space<hbm>>)
      %scan3A_86 = arith.constant 0 : i32
      scf.yield %scan3A_86 : i32
    }
    %scan3A_8 = arith.constant 32 : i32
    return
  }
}

module attributes {stable_mosaic.version = 14 : i64} {
  func.func @_fps_body(%arg0: memref<3x8x4096xf32, #tpu.memory_space<vmem>>, %arg1: memref<8x1024xf32, #tpu.memory_space<vmem>>, %arg2: memref<8x1024xf32, #tpu.memory_space<vmem>>, %arg3: memref<8x1024xf32, #tpu.memory_space<vmem>>) attributes {dimension_semantics = [], scalar_prefetch = 0 : i64, scratch_operands = 0 : i64, tpu.core_type = #tpu.core_type<tc>} {
    %get3A = arith.constant 0 : index
    %get3A_0 = arith.constant 0 : index
    %get3A_1 = arith.constant 0 : index
    %get3A_2 = vector.load %arg0[%get3A, %get3A_0, %get3A_1] : memref<3x8x4096xf32, #tpu.memory_space<vmem>>, vector<1x8x4096xf32>
    %get3A_3 = vector.shape_cast %get3A_2 : vector<1x8x4096xf32> to vector<8x4096xf32>
    %get3A_4 = arith.constant 1 : index
    %get3A_5 = arith.constant 0 : index
    %get3A_6 = arith.constant 0 : index
    %get3A_7 = vector.load %arg0[%get3A_4, %get3A_5, %get3A_6] : memref<3x8x4096xf32, #tpu.memory_space<vmem>>, vector<1x8x4096xf32>
    %get3A_8 = vector.shape_cast %get3A_7 : vector<1x8x4096xf32> to vector<8x4096xf32>
    %get3A_9 = arith.constant 2 : index
    %get3A_10 = arith.constant 0 : index
    %get3A_11 = arith.constant 0 : index
    %get3A_12 = vector.load %arg0[%get3A_9, %get3A_10, %get3A_11] : memref<3x8x4096xf32, #tpu.memory_space<vmem>>, vector<1x8x4096xf32>
    %get3A_13 = vector.shape_cast %get3A_12 : vector<1x8x4096xf32> to vector<8x4096xf32>
    %iota3A = tpu.iota {dimensions = array<i32: 1>} : vector<8x4096xi32>
    %iota3A_14 = tpu.iota {dimensions = array<i32: 1>} : vector<8x1024xi32>
    %broadcast_in_dim3A = arith.constant 1.000000e+10 : f32
    %broadcast_in_dim3A_15 = vector.broadcast %broadcast_in_dim3A : f32 to vector<8x4096xf32>
    %broadcast_in_dim3A_16 = arith.constant 0 : i32
    %broadcast_in_dim3A_17 = vector.broadcast %broadcast_in_dim3A_16 : i32 to vector<8x1xi32>
    %broadcast_in_dim3A_18 = arith.constant 0.000000e+00 : f32
    %broadcast_in_dim3A_19 = vector.broadcast %broadcast_in_dim3A_18 : f32 to vector<8x1024xf32>
    %scan3A = arith.constant 0 : i32
    %scan3A_20 = arith.constant 1024 : i32
    %scan3A_21 = arith.addi %scan3A, %scan3A_20 : i32
    %scan3A_22 = arith.constant 1 : i32
    %scan3A_23:5 = scf.for %scan3A_33 = %scan3A to %scan3A_21 step %scan3A_22 iter_args(%scan3A_34 = %broadcast_in_dim3A_15, %scan3A_35 = %broadcast_in_dim3A_17, %scan3A_36 = %broadcast_in_dim3A_19, %scan3A_37 = %broadcast_in_dim3A_19, %scan3A_38 = %broadcast_in_dim3A_19) -> (vector<8x4096xf32>, vector<8x1xi32>, vector<8x1024xf32>, vector<8x1024xf32>, vector<8x1024xf32>)  : i32 {
      %eq3A = vector.broadcast %scan3A_35 : vector<8x1xi32> to vector<8x4096xi32>
      %eq3A_39 = arith.cmpi eq, %iota3A, %eq3A : vector<8x4096xi32>
      %jit3A = arith.constant 0.000000e+00 : f32
      %broadcast_in_dim3A_40 = vector.broadcast %jit3A : f32 to vector<8x4096xf32>
      %select_n3A = arith.select %eq3A_39, %get3A_3, %broadcast_in_dim3A_40 : vector<8x4096xi1>, vector<8x4096xf32>
      %reduce_sum3A = arith.constant dense<0.000000e+00> : vector<8xf32>
      %reduce_sum3A_41 = vector.multi_reduction <add>, %select_n3A, %reduce_sum3A [1] : vector<8x4096xf32> to vector<8xf32>
      %broadcast_in_dim3A_42 = vector.shape_cast %reduce_sum3A_41 : vector<8xf32> to vector<8x1xf32>
      %jit3A_43 = arith.constant 0.000000e+00 : f32
      %broadcast_in_dim3A_44 = vector.broadcast %jit3A_43 : f32 to vector<8x4096xf32>
      %select_n3A_45 = arith.select %eq3A_39, %get3A_8, %broadcast_in_dim3A_44 : vector<8x4096xi1>, vector<8x4096xf32>
      %reduce_sum3A_46 = arith.constant dense<0.000000e+00> : vector<8xf32>
      %reduce_sum3A_47 = vector.multi_reduction <add>, %select_n3A_45, %reduce_sum3A_46 [1] : vector<8x4096xf32> to vector<8xf32>
      %broadcast_in_dim3A_48 = vector.shape_cast %reduce_sum3A_47 : vector<8xf32> to vector<8x1xf32>
      %jit3A_49 = arith.constant 0.000000e+00 : f32
      %broadcast_in_dim3A_50 = vector.broadcast %jit3A_49 : f32 to vector<8x4096xf32>
      %select_n3A_51 = arith.select %eq3A_39, %get3A_13, %broadcast_in_dim3A_50 : vector<8x4096xi1>, vector<8x4096xf32>
      %reduce_sum3A_52 = arith.constant dense<0.000000e+00> : vector<8xf32>
      %reduce_sum3A_53 = vector.multi_reduction <add>, %select_n3A_51, %reduce_sum3A_52 [1] : vector<8x4096xf32> to vector<8xf32>
      %broadcast_in_dim3A_54 = vector.shape_cast %reduce_sum3A_53 : vector<8xf32> to vector<8x1xf32>
      %eq3A_55 = vector.broadcast %scan3A_33 : i32 to vector<8x1024xi32>
      %eq3A_56 = arith.cmpi eq, %iota3A_14, %eq3A_55 : vector<8x1024xi32>
      %convert_element_type3A = arith.extui %eq3A_56 : vector<8x1024xi1> to vector<8x1024xi32>
      %convert_element_type3A_57 = arith.sitofp %convert_element_type3A : vector<8x1024xi32> to vector<8x1024xf32>
      %mul3A = vector.broadcast %broadcast_in_dim3A_42 : vector<8x1xf32> to vector<8x1024xf32>
      %mul3A_58 = arith.mulf %convert_element_type3A_57, %mul3A : vector<8x1024xf32>
      %add3A = arith.addf %scan3A_36, %mul3A_58 : vector<8x1024xf32>
      %mul3A_59 = vector.broadcast %broadcast_in_dim3A_48 : vector<8x1xf32> to vector<8x1024xf32>
      %mul3A_60 = arith.mulf %convert_element_type3A_57, %mul3A_59 : vector<8x1024xf32>
      %add3A_61 = arith.addf %scan3A_37, %mul3A_60 : vector<8x1024xf32>
      %mul3A_62 = vector.broadcast %broadcast_in_dim3A_54 : vector<8x1xf32> to vector<8x1024xf32>
      %mul3A_63 = arith.mulf %convert_element_type3A_57, %mul3A_62 : vector<8x1024xf32>
      %add3A_64 = arith.addf %scan3A_38, %mul3A_63 : vector<8x1024xf32>
      %sub3A = vector.broadcast %broadcast_in_dim3A_42 : vector<8x1xf32> to vector<8x4096xf32>
      %sub3A_65 = arith.subf %get3A_3, %sub3A : vector<8x4096xf32>
      %sub3A_66 = vector.broadcast %broadcast_in_dim3A_48 : vector<8x1xf32> to vector<8x4096xf32>
      %sub3A_67 = arith.subf %get3A_8, %sub3A_66 : vector<8x4096xf32>
      %sub3A_68 = vector.broadcast %broadcast_in_dim3A_54 : vector<8x1xf32> to vector<8x4096xf32>
      %sub3A_69 = arith.subf %get3A_13, %sub3A_68 : vector<8x4096xf32>
      %mul3A_70 = arith.mulf %sub3A_65, %sub3A_65 : vector<8x4096xf32>
      %mul3A_71 = arith.mulf %sub3A_67, %sub3A_67 : vector<8x4096xf32>
      %add3A_72 = arith.addf %mul3A_70, %mul3A_71 : vector<8x4096xf32>
      %mul3A_73 = arith.mulf %sub3A_69, %sub3A_69 : vector<8x4096xf32>
      %add3A_74 = arith.addf %add3A_72, %mul3A_73 : vector<8x4096xf32>
      %min3A = arith.minimumf %scan3A_34, %add3A_74 : vector<8x4096xf32>
      %reduce_max3A = arith.constant dense<0xFF800000> : vector<8xf32>
      %reduce_max3A_75 = vector.multi_reduction <maximumf>, %min3A, %reduce_max3A [1] : vector<8x4096xf32> to vector<8xf32>
      %broadcast_in_dim3A_76 = vector.shape_cast %reduce_max3A_75 : vector<8xf32> to vector<8x1xf32>
      %eq3A_77 = vector.broadcast %broadcast_in_dim3A_76 : vector<8x1xf32> to vector<8x4096xf32>
      %eq3A_78 = arith.cmpf oeq, %min3A, %eq3A_77 : vector<8x4096xf32>
      %jit3A_79 = arith.constant 4096 : i32
      %broadcast_in_dim3A_80 = vector.broadcast %jit3A_79 : i32 to vector<8x4096xi32>
      %select_n3A_81 = arith.select %eq3A_78, %iota3A, %broadcast_in_dim3A_80 : vector<8x4096xi1>, vector<8x4096xi32>
      %reduce_min3A = arith.constant dense<2147483647> : vector<8xi32>
      %reduce_min3A_82 = vector.multi_reduction <minsi>, %select_n3A_81, %reduce_min3A [1] : vector<8x4096xi32> to vector<8xi32>
      %broadcast_in_dim3A_83 = vector.shape_cast %reduce_min3A_82 : vector<8xi32> to vector<8x1xi32>
      scf.yield %min3A, %broadcast_in_dim3A_83, %add3A, %add3A_61, %add3A_64 : vector<8x4096xf32>, vector<8x1xi32>, vector<8x1024xf32>, vector<8x1024xf32>, vector<8x1024xf32>
    }
    %scan3A_24 = arith.constant 1024 : i32
    %swap3A = arith.constant 0 : index
    %swap3A_25 = arith.constant 0 : index
    %swap3A_26 = vector.load %arg1[%swap3A, %swap3A_25] : memref<8x1024xf32, #tpu.memory_space<vmem>>, vector<8x1024xf32>
    tpu.vector_store %arg1[%swap3A, %swap3A_25], %scan3A_23#2 {strides = array<i32>} : memref<8x1024xf32, #tpu.memory_space<vmem>>, vector<8x1024xf32>,
    %swap3A_27 = arith.constant 0 : index
    %swap3A_28 = arith.constant 0 : index
    %swap3A_29 = vector.load %arg2[%swap3A_27, %swap3A_28] : memref<8x1024xf32, #tpu.memory_space<vmem>>, vector<8x1024xf32>
    tpu.vector_store %arg2[%swap3A_27, %swap3A_28], %scan3A_23#3 {strides = array<i32>} : memref<8x1024xf32, #tpu.memory_space<vmem>>, vector<8x1024xf32>,
    %swap3A_30 = arith.constant 0 : index
    %swap3A_31 = arith.constant 0 : index
    %swap3A_32 = vector.load %arg3[%swap3A_30, %swap3A_31] : memref<8x1024xf32, #tpu.memory_space<vmem>>, vector<8x1024xf32>
    tpu.vector_store %arg3[%swap3A_30, %swap3A_31], %scan3A_23#4 {strides = array<i32>} : memref<8x1024xf32, #tpu.memory_space<vmem>>, vector<8x1024xf32>,
    return
  }
}

module attributes {stable_mosaic.version = 14 : i64} {
  func.func @_knn_body(%arg0: i32, %arg1: i32, %arg2: memref<1x256x4xf32, #tpu.memory_space<vmem>>, %arg3: memref<1x4096x4xf32, #tpu.memory_space<vmem>>, %arg4: memref<1x256x32xi32, #tpu.memory_space<vmem>>) attributes {dimension_semantics = [#tpu.dimension_semantics<arbitrary>, #tpu.dimension_semantics<arbitrary>], iteration_bounds = array<i64: 8, 4>, scalar_prefetch = 0 : i64, scratch_operands = 0 : i64, tpu.core_type = #tpu.core_type<tc>, window_params = [{transform_indices = @transform_0, window_bounds = array<i64: 1, 256, 4>}, {transform_indices = @transform_1, window_bounds = array<i64: 1, 4096, 4>}, {transform_indices = @transform_2, window_bounds = array<i64: 1, 256, 32>}]} {
    %get3A = arith.constant 0 : index
    %get3A_0 = arith.constant 0 : index
    %get3A_1 = arith.constant 0 : index
    %get3A_2 = vector.load %arg3[%get3A, %get3A_0, %get3A_1] : memref<1x4096x4xf32, #tpu.memory_space<vmem>>, vector<1x4096x4xf32>
    %get3A_3 = vector.shape_cast %get3A_2 : vector<1x4096x4xf32> to vector<4096x4xf32>
    %get3A_4 = arith.constant 0 : index
    %get3A_5 = arith.constant 0 : index
    %get3A_6 = arith.constant 0 : index
    %get3A_7 = vector.load %arg2[%get3A_4, %get3A_5, %get3A_6] : memref<1x256x4xf32, #tpu.memory_space<vmem>>, vector<1x256x4xf32>
    %get3A_8 = vector.shape_cast %get3A_7 : vector<1x256x4xf32> to vector<256x4xf32>
    %iota3A = tpu.iota {dimensions = array<i32: 1>} : vector<4096x4xi32>
    %mul3A = arith.mulf %get3A_3, %get3A_3 : vector<4096x4xf32>
    %reduce_sum3A = arith.constant dense<0.000000e+00> : vector<4096xf32>
    %reduce_sum3A_9 = vector.multi_reduction <add>, %mul3A, %reduce_sum3A [1] : vector<4096x4xf32> to vector<4096xf32>
    %broadcast_in_dim3A = vector.shape_cast %reduce_sum3A_9 : vector<4096xf32> to vector<4096x1xf32>
    %eq3A = arith.constant 3 : i32
    %eq3A_10 = vector.broadcast %eq3A : i32 to vector<4096x4xi32>
    %eq3A_11 = arith.cmpi eq, %iota3A, %eq3A_10 : vector<4096x4xi32>
    %broadcast_in_dim3A_12 = vector.shape_cast %broadcast_in_dim3A : vector<4096x1xf32> to vector<4096x1xf32>
    %broadcast_in_dim3A_13 = vector.broadcast %broadcast_in_dim3A_12 : vector<4096x1xf32> to vector<4096x4xf32>
    %select_n3A = arith.select %eq3A_11, %broadcast_in_dim3A_13, %get3A_3 : vector<4096x4xi1>, vector<4096x4xf32>
    %iota3A_14 = tpu.iota {dimensions = array<i32: 1>} : vector<256x4xi32>
    %eq3A_15 = arith.constant 3 : i32
    %eq3A_16 = vector.broadcast %eq3A_15 : i32 to vector<256x4xi32>
    %eq3A_17 = arith.cmpi eq, %iota3A_14, %eq3A_16 : vector<256x4xi32>
    %mul3A_18 = arith.constant -2.000000e+00 : f32
    %mul3A_19 = vector.broadcast %mul3A_18 : f32 to vector<256x4xf32>
    %mul3A_20 = arith.mulf %mul3A_19, %get3A_8 : vector<256x4xf32>
    %jit3A = arith.constant 1.000000e+00 : f32
    %broadcast_in_dim3A_21 = vector.broadcast %jit3A : f32 to vector<256x4xf32>
    %select_n3A_22 = arith.select %eq3A_17, %broadcast_in_dim3A_21, %mul3A_20 : vector<256x4xi1>, vector<256x4xf32>
    %mul3A_23 = arith.mulf %get3A_8, %get3A_8 : vector<256x4xf32>
    %reduce_sum3A_24 = arith.constant dense<0.000000e+00> : vector<256xf32>
    %reduce_sum3A_25 = vector.multi_reduction <add>, %mul3A_23, %reduce_sum3A_24 [1] : vector<256x4xf32> to vector<256xf32>
    %broadcast_in_dim3A_26 = vector.shape_cast %reduce_sum3A_25 : vector<256xf32> to vector<256x1xf32>
    %dot_general3A = arith.constant dense<0.000000e+00> : vector<256x4096xf32>
    %dot_general3A_27 = tpu.matmul %select_n3A_22, %select_n3A, %dot_general3A {dimension_numbers = #tpu.dot_dimension_numbers<[1], [1], [0], [0], [0, 0, 1, 0], [], []>, precision = #tpu.contract_precision<fp32>, transpose_lhs_hint = false} : vector<256x4xf32>, vector<4096x4xf32>, vector<256x4096xf32> -> vector<256x4096xf32>
    %add3A = vector.broadcast %broadcast_in_dim3A_26 : vector<256x1xf32> to vector<256x4096xf32>
    %add3A_28 = arith.addf %dot_general3A_27, %add3A : vector<256x4096xf32>
    %iota3A_29 = tpu.iota {dimensions = array<i32: 1>} : vector<256x4096xi32>
    %iota3A_30 = tpu.iota {dimensions = array<i32: 1>} : vector<256x32xi32>
    %broadcast_in_dim3A_31 = arith.constant 0 : i32
    %broadcast_in_dim3A_32 = vector.broadcast %broadcast_in_dim3A_31 : i32 to vector<256x32xi32>
    %scan3A = arith.constant 0 : i32
    %scan3A_33 = arith.constant 32 : i32
    %scan3A_34 = arith.addi %scan3A, %scan3A_33 : i32
    %scan3A_35 = arith.constant 1 : i32
    %scan3A_36:2 = scf.for %scan3A_47 = %scan3A to %scan3A_34 step %scan3A_35 iter_args(%scan3A_48 = %add3A_28, %scan3A_49 = %broadcast_in_dim3A_32) -> (vector<256x4096xf32>, vector<256x32xi32>)  : i32 {
      %reduce_min3A = arith.constant dense<0x7F800000> : vector<256xf32>
      %reduce_min3A_50 = vector.multi_reduction <minimumf>, %scan3A_48, %reduce_min3A [1] : vector<256x4096xf32> to vector<256xf32>
      %broadcast_in_dim3A_51 = vector.shape_cast %reduce_min3A_50 : vector<256xf32> to vector<256x1xf32>
      %eq3A_52 = vector.broadcast %broadcast_in_dim3A_51 : vector<256x1xf32> to vector<256x4096xf32>
      %eq3A_53 = arith.cmpf oeq, %scan3A_48, %eq3A_52 : vector<256x4096xf32>
      %jit3A_54 = arith.constant 4096 : i32
      %broadcast_in_dim3A_55 = vector.broadcast %jit3A_54 : i32 to vector<256x4096xi32>
      %select_n3A_56 = arith.select %eq3A_53, %iota3A_29, %broadcast_in_dim3A_55 : vector<256x4096xi1>, vector<256x4096xi32>
      %reduce_min3A_57 = arith.constant dense<2147483647> : vector<256xi32>
      %reduce_min3A_58 = vector.multi_reduction <minsi>, %select_n3A_56, %reduce_min3A_57 [1] : vector<256x4096xi32> to vector<256xi32>
      %broadcast_in_dim3A_59 = vector.shape_cast %reduce_min3A_58 : vector<256xi32> to vector<256x1xi32>
      %eq3A_60 = vector.broadcast %scan3A_47 : i32 to vector<256x32xi32>
      %eq3A_61 = arith.cmpi eq, %iota3A_30, %eq3A_60 : vector<256x32xi32>
      %convert_element_type3A = arith.extui %eq3A_61 : vector<256x32xi1> to vector<256x32xi32>
      %mul3A_62 = vector.broadcast %broadcast_in_dim3A_59 : vector<256x1xi32> to vector<256x32xi32>
      %mul3A_63 = arith.muli %convert_element_type3A, %mul3A_62 : vector<256x32xi32>
      %add3A_64 = arith.addi %scan3A_49, %mul3A_63 : vector<256x32xi32>
      %eq3A_65 = vector.broadcast %broadcast_in_dim3A_59 : vector<256x1xi32> to vector<256x4096xi32>
      %eq3A_66 = arith.cmpi eq, %iota3A_29, %eq3A_65 : vector<256x4096xi32>
      %jit3A_67 = arith.constant 1.000000e+10 : f32
      %broadcast_in_dim3A_68 = vector.broadcast %jit3A_67 : f32 to vector<256x4096xf32>
      %select_n3A_69 = arith.select %eq3A_66, %broadcast_in_dim3A_68, %scan3A_48 : vector<256x4096xi1>, vector<256x4096xf32>
      scf.yield %select_n3A_69, %add3A_64 : vector<256x4096xf32>, vector<256x32xi32>
    }
    %scan3A_37 = arith.constant 32 : i32
    %mul3A_38 = arith.constant 4096 : i32
    %mul3A_39 = arith.muli %arg0, %mul3A_38 : i32
    %add3A_40 = vector.broadcast %mul3A_39 : i32 to vector<256x32xi32>
    %add3A_41 = arith.addi %scan3A_36#1, %add3A_40 : vector<256x32xi32>
    %swap3A = arith.constant 0 : index
    %swap3A_42 = arith.constant 0 : index
    %swap3A_43 = arith.constant 0 : index
    %swap3A_44 = vector.load %arg4[%swap3A, %swap3A_42, %swap3A_43] : memref<1x256x32xi32, #tpu.memory_space<vmem>>, vector<1x256x32xi32>
    %swap3A_45 = vector.shape_cast %swap3A_44 : vector<1x256x32xi32> to vector<256x32xi32>
    %swap3A_46 = vector.shape_cast %add3A_41 : vector<256x32xi32> to vector<1x256x32xi32>
    tpu.vector_store %arg4[%swap3A, %swap3A_42, %swap3A_43], %swap3A_46 {strides = array<i32>} : memref<1x256x32xi32, #tpu.memory_space<vmem>>, vector<1x256x32xi32>,
    return
  }
  func.func @transform_0(%arg0: i32, %arg1: i32) -> (i32, i32, i32) {
    %c0_i32 = arith.constant 0 : i32
    %c0_i32_0 = arith.constant 0 : i32
    return %arg0, %arg1, %c0_i32 : i32, i32, i32
  }
  func.func @transform_1(%arg0: i32, %arg1: i32) -> (i32, i32, i32) {
    %c0_i32 = arith.constant 0 : i32
    %c0_i32_0 = arith.constant 0 : i32
    %c0_i32_1 = arith.constant 0 : i32
    return %arg0, %c0_i32, %c0_i32_0 : i32, i32, i32
  }
  func.func @transform_2(%arg0: i32, %arg1: i32) -> (i32, i32, i32) {
    %c0_i32 = arith.constant 0 : i32
    %c0_i32_0 = arith.constant 0 : i32
    return %arg0, %arg1, %c0_i32 : i32, i32, i32
  }
}

module attributes {stable_mosaic.version = 14 : i64} {
  func.func @_stats1_body(%arg0: i32, %arg1: memref<4096x128xf32, #tpu.memory_space<vmem>>, %arg2: memref<4096x16xf32, #tpu.memory_space<vmem>>, %arg3: memref<128x16xf32, #tpu.memory_space<vmem>>, %arg4: memref<256x128xf32, #tpu.memory_space<vmem>>, %arg5: memref<256x16xf32, #tpu.memory_space<vmem>>, %arg6: memref<2x256xf32, #tpu.memory_space<vmem>>, %arg7: memref<1x256xf32, #tpu.memory_space<vmem>>, %arg8: memref<1x256xf32, #tpu.memory_space<vmem>>, %arg9: memref<1x256xf32, #tpu.memory_space<vmem>>, %arg10: memref<1x256xf32, #tpu.memory_space<vmem>>) attributes {dimension_semantics = [#tpu.dimension_semantics<arbitrary>], iteration_bounds = array<i64: 64>, scalar_prefetch = 0 : i64, scratch_operands = 2 : i64, tpu.core_type = #tpu.core_type<tc>, window_params = [{transform_indices = @transform_0, window_bounds = array<i64: 4096, 128>}, {transform_indices = @transform_1, window_bounds = array<i64: 4096, 16>}, {transform_indices = @transform_2, window_bounds = array<i64: 128, 16>}, {pipeline_mode = #tpu.pipeline_mode<synchronous>, transform_indices = @transform_3, window_bounds = array<i64: 256, 128>}, {pipeline_mode = #tpu.pipeline_mode<synchronous>, transform_indices = @transform_4, window_bounds = array<i64: 256, 16>}, {pipeline_mode = #tpu.pipeline_mode<synchronous>, transform_indices = @transform_5, window_bounds = array<i64: 2, 256>}, {pipeline_mode = #tpu.pipeline_mode<synchronous>, transform_indices = @transform_6, window_bounds = array<i64: 1, 256>}, {pipeline_mode = #tpu.pipeline_mode<synchronous>, transform_indices = @transform_7, window_bounds = array<i64: 1, 256>}]} {
    %eq3A = arith.constant 0 : i32
    %eq3A_0 = arith.cmpi eq, %arg0, %eq3A : i32
    %convert_element_type3A = arith.extui %eq3A_0 : i1 to i32
    %cond3A = arith.constant 0 : i32
    %cond3A_1 = arith.cmpi ne, %convert_element_type3A, %cond3A : i32
    scf.if %cond3A_1 {
      %broadcast_in_dim3A_44 = arith.constant 0.000000e+00 : f32
      %broadcast_in_dim3A_45 = vector.broadcast %broadcast_in_dim3A_44 : f32 to vector<1x256xf32>
      %swap3A_46 = arith.constant 0 : index
      %swap3A_47 = arith.constant 0 : index
      %swap3A_48 = vector.load %arg9[%swap3A_46, %swap3A_47] : memref<1x256xf32, #tpu.memory_space<vmem>>, vector<1x256xf32>
      tpu.vector_store %arg9[%swap3A_46, %swap3A_47], %broadcast_in_dim3A_45 {strides = array<i32>} : memref<1x256xf32, #tpu.memory_space<vmem>>, vector<1x256xf32>,
      %broadcast_in_dim3A_49 = arith.constant 0.000000e+00 : f32
      %broadcast_in_dim3A_50 = vector.broadcast %broadcast_in_dim3A_49 : f32 to vector<1x256xf32>
      %swap3A_51 = arith.constant 0 : index
      %swap3A_52 = arith.constant 0 : index
      %swap3A_53 = vector.load %arg10[%swap3A_51, %swap3A_52] : memref<1x256xf32, #tpu.memory_space<vmem>>, vector<1x256xf32>
      tpu.vector_store %arg10[%swap3A_51, %swap3A_52], %broadcast_in_dim3A_50 {strides = array<i32>} : memref<1x256xf32, #tpu.memory_space<vmem>>, vector<1x256xf32>,
    } else {
    }
    %get3A = arith.constant 0 : index
    %get3A_2 = arith.constant 0 : index
    %get3A_3 = vector.load %arg2[%get3A, %get3A_2] : memref<4096x16xf32, #tpu.memory_space<vmem>>, vector<4096x16xf32>
    %reshape3A = vector.shape_cast %get3A_3 : vector<4096x16xf32> to vector<128x32x16xf32>
    %get3A_4 = arith.constant 0 : index
    %get3A_5 = arith.constant 0 : index
    %get3A_6 = vector.load %arg3[%get3A_4, %get3A_5] : memref<128x16xf32, #tpu.memory_space<vmem>>, vector<128x16xf32>
    %broadcast_in_dim3A = vector.shape_cast %get3A_6 : vector<128x16xf32> to vector<128x1x16xf32>
    %sub3A = vector.broadcast %broadcast_in_dim3A : vector<128x1x16xf32> to vector<128x32x16xf32>
    %sub3A_7 = arith.subf %reshape3A, %sub3A : vector<128x32x16xf32>
    %get3A_8 = arith.constant 0 : index
    %get3A_9 = arith.constant 0 : index
    %get3A_10 = vector.load %arg1[%get3A_8, %get3A_9] : memref<4096x128xf32, #tpu.memory_space<vmem>>, vector<4096x128xf32>
    %get3A_11 = arith.constant 0 : index
    %get3A_12 = arith.constant 0 : index
    %get3A_13 = vector.load %arg4[%get3A_11, %get3A_12] : memref<256x128xf32, #tpu.memory_space<vmem>>, vector<256x128xf32>
    %dot_general3A = arith.constant dense<0.000000e+00> : vector<4096x256xf32>
    %dot_general3A_14 = tpu.matmul %get3A_10, %get3A_13, %dot_general3A {dimension_numbers = #tpu.dot_dimension_numbers<[1], [1], [0], [0], [0, 0, 1, 0], [], []>, transpose_lhs_hint = false} : vector<4096x128xf32>, vector<256x128xf32>, vector<4096x256xf32> -> vector<4096x256xf32>
    %reshape3A_15 = vector.shape_cast %sub3A_7 : vector<128x32x16xf32> to vector<4096x16xf32>
    %get3A_16 = arith.constant 0 : index
    %get3A_17 = arith.constant 0 : index
    %get3A_18 = vector.load %arg5[%get3A_16, %get3A_17] : memref<256x16xf32, #tpu.memory_space<vmem>>, vector<256x16xf32>
    %dot_general3A_19 = arith.constant dense<0.000000e+00> : vector<4096x256xf32>
    %dot_general3A_20 = tpu.matmul %reshape3A_15, %get3A_18, %dot_general3A_19 {dimension_numbers = #tpu.dot_dimension_numbers<[1], [1], [0], [0], [0, 0, 1, 0], [], []>, transpose_lhs_hint = false} : vector<4096x16xf32>, vector<256x16xf32>, vector<4096x256xf32> -> vector<4096x256xf32>
    %add3A = arith.addf %dot_general3A_14, %dot_general3A_20 : vector<4096x256xf32>
    %get3A_21 = arith.constant 0 : index
    %get3A_22 = arith.constant 0 : index
    %get3A_23 = vector.load %arg9[%get3A_21, %get3A_22] : memref<1x256xf32, #tpu.memory_space<vmem>>, vector<1x256xf32>
    %reduce_sum3A = arith.constant dense<0.000000e+00> : vector<256xf32>
    %reduce_sum3A_24 = vector.multi_reduction <add>, %add3A, %reduce_sum3A [0] : vector<4096x256xf32> to vector<256xf32>
    %broadcast_in_dim3A_25 = vector.shape_cast %reduce_sum3A_24 : vector<256xf32> to vector<1x256xf32>
    %add3A_26 = arith.addf %get3A_23, %broadcast_in_dim3A_25 : vector<1x256xf32>
    %swap3A = arith.constant 0 : index
    %swap3A_27 = arith.constant 0 : index
    %swap3A_28 = vector.load %arg9[%swap3A, %swap3A_27] : memref<1x256xf32, #tpu.memory_space<vmem>>, vector<1x256xf32>
    tpu.vector_store %arg9[%swap3A, %swap3A_27], %add3A_26 {strides = array<i32>} : memref<1x256xf32, #tpu.memory_space<vmem>>, vector<1x256xf32>,
    %get3A_29 = arith.constant 0 : index
    %get3A_30 = arith.constant 0 : index
    %get3A_31 = vector.load %arg10[%get3A_29, %get3A_30] : memref<1x256xf32, #tpu.memory_space<vmem>>, vector<1x256xf32>
    %mul3A = arith.mulf %add3A, %add3A : vector<4096x256xf32>
    %reduce_sum3A_32 = arith.constant dense<0.000000e+00> : vector<256xf32>
    %reduce_sum3A_33 = vector.multi_reduction <add>, %mul3A, %reduce_sum3A_32 [0] : vector<4096x256xf32> to vector<256xf32>
    %broadcast_in_dim3A_34 = vector.shape_cast %reduce_sum3A_33 : vector<256xf32> to vector<1x256xf32>
    %add3A_35 = arith.addf %get3A_31, %broadcast_in_dim3A_34 : vector<1x256xf32>
    %swap3A_36 = arith.constant 0 : index
    %swap3A_37 = arith.constant 0 : index
    %swap3A_38 = vector.load %arg10[%swap3A_36, %swap3A_37] : memref<1x256xf32, #tpu.memory_space<vmem>>, vector<1x256xf32>
    tpu.vector_store %arg10[%swap3A_36, %swap3A_37], %add3A_35 {strides = array<i32>} : memref<1x256xf32, #tpu.memory_space<vmem>>, vector<1x256xf32>,
    %eq3A_39 = arith.constant 63 : i32
    %eq3A_40 = arith.cmpi eq, %arg0, %eq3A_39 : i32
    %convert_element_type3A_41 = arith.extui %eq3A_40 : i1 to i32
    %cond3A_42 = arith.constant 0 : i32
    %cond3A_43 = arith.cmpi ne, %convert_element_type3A_41, %cond3A_42 : i32
    scf.if %cond3A_43 {
      %get3A_44 = arith.constant 0 : index
      %get3A_45 = arith.constant 0 : index
      %get3A_46 = vector.load %arg9[%get3A_44, %get3A_45] : memref<1x256xf32, #tpu.memory_space<vmem>>, vector<1x256xf32>
      %div3A = arith.constant 2.621440e+05 : f32
      %div3A_47 = vector.broadcast %div3A : f32 to vector<1x256xf32>
      %div3A_48 = arith.divf %get3A_46, %div3A_47 : vector<1x256xf32>
      %get3A_49 = arith.constant 0 : index
      %get3A_50 = arith.constant 0 : index
      %get3A_51 = vector.load %arg10[%get3A_49, %get3A_50] : memref<1x256xf32, #tpu.memory_space<vmem>>, vector<1x256xf32>
      %div3A_52 = arith.constant 2.621440e+05 : f32
      %div3A_53 = vector.broadcast %div3A_52 : f32 to vector<1x256xf32>
      %div3A_54 = arith.divf %get3A_51, %div3A_53 : vector<1x256xf32>
      %mul3A_55 = arith.mulf %div3A_48, %div3A_48 : vector<1x256xf32>
      %sub3A_56 = arith.subf %div3A_54, %mul3A_55 : vector<1x256xf32>
      %add3A_57 = arith.constant 9.99999974E-6 : f32
      %add3A_58 = vector.broadcast %add3A_57 : f32 to vector<1x256xf32>
      %add3A_59 = arith.addf %sub3A_56, %add3A_58 : vector<1x256xf32>
      %rsqrt3A = math.rsqrt %add3A_59 : vector<1x256xf32>
      %get3A_60 = arith.constant 0 : index
      %get3A_61 = arith.constant 0 : index
      %get3A_62 = vector.load %arg6[%get3A_60, %get3A_61] : memref<2x256xf32, #tpu.memory_space<vmem>>, vector<1x256xf32>
      %mul3A_63 = arith.mulf %get3A_62, %rsqrt3A : vector<1x256xf32>
      %swap3A_64 = arith.constant 0 : index
      %swap3A_65 = arith.constant 0 : index
      %swap3A_66 = vector.load %arg7[%swap3A_64, %swap3A_65] : memref<1x256xf32, #tpu.memory_space<vmem>>, vector<1x256xf32>
      tpu.vector_store %arg7[%swap3A_64, %swap3A_65], %mul3A_63 {strides = array<i32>} : memref<1x256xf32, #tpu.memory_space<vmem>>, vector<1x256xf32>,
      %get3A_67 = arith.constant 1 : index
      %get3A_68 = arith.constant 0 : index
      %get3A_69 = vector.load %arg6[%get3A_67, %get3A_68] : memref<2x256xf32, #tpu.memory_space<vmem>>, vector<1x256xf32>
      %mul3A_70 = arith.mulf %div3A_48, %mul3A_63 : vector<1x256xf32>
      %sub3A_71 = arith.subf %get3A_69, %mul3A_70 : vector<1x256xf32>
      %swap3A_72 = arith.constant 0 : index
      %swap3A_73 = arith.constant 0 : index
      %swap3A_74 = vector.load %arg8[%swap3A_72, %swap3A_73] : memref<1x256xf32, #tpu.memory_space<vmem>>, vector<1x256xf32>
      tpu.vector_store %arg8[%swap3A_72, %swap3A_73], %sub3A_71 {strides = array<i32>} : memref<1x256xf32, #tpu.memory_space<vmem>>, vector<1x256xf32>,
    } else {
    }
    return
  }
  func.func @transform_0(%arg0: i32) -> (i32, i32) {
    %c0_i32 = arith.constant 0 : i32
    %c0_i32_0 = arith.constant 0 : i32
    return %arg0, %c0_i32 : i32, i32
  }
  func.func @transform_1(%arg0: i32) -> (i32, i32) {
    %c0_i32 = arith.constant 0 : i32
    %c0_i32_0 = arith.constant 0 : i32
    return %arg0, %c0_i32 : i32, i32
  }
  func.func @transform_2(%arg0: i32) -> (i32, i32) {
    %c0_i32 = arith.constant 0 : i32
    %c0_i32_0 = arith.constant 0 : i32
    return %arg0, %c0_i32 : i32, i32
  }
  func.func @transform_3(%arg0: i32) -> (i32, i32) {
    %c0_i32 = arith.constant 0 : i32
    %c0_i32_0 = arith.constant 0 : i32
    %c0_i32_1 = arith.constant 0 : i32
    return %c0_i32, %c0_i32_0 : i32, i32
  }
  func.func @transform_4(%arg0: i32) -> (i32, i32) {
    %c0_i32 = arith.constant 0 : i32
    %c0_i32_0 = arith.constant 0 : i32
    %c0_i32_1 = arith.constant 0 : i32
    return %c0_i32, %c0_i32_0 : i32, i32
  }
  func.func @transform_5(%arg0: i32) -> (i32, i32) {
    %c0_i32 = arith.constant 0 : i32
    %c0_i32_0 = arith.constant 0 : i32
    %c0_i32_1 = arith.constant 0 : i32
    return %c0_i32, %c0_i32_0 : i32, i32
  }
  func.func @transform_6(%arg0: i32) -> (i32, i32) {
    %c0_i32 = arith.constant 0 : i32
    %c0_i32_0 = arith.constant 0 : i32
    %c0_i32_1 = arith.constant 0 : i32
    return %c0_i32, %c0_i32_0 : i32, i32
  }
  func.func @transform_7(%arg0: i32) -> (i32, i32) {
    %c0_i32 = arith.constant 0 : i32
    %c0_i32_0 = arith.constant 0 : i32
    %c0_i32_1 = arith.constant 0 : i32
    return %c0_i32, %c0_i32_0 : i32, i32
  }
}

module attributes {stable_mosaic.version = 14 : i64} {
  func.func @_main_body(%arg0: i32, %arg1: memref<2048x128xf32, #tpu.memory_space<vmem>>, %arg2: memref<2048x16xf32, #tpu.memory_space<vmem>>, %arg3: memref<64x16xf32, #tpu.memory_space<vmem>>, %arg4: memref<256x128xf32, #tpu.memory_space<vmem>>, %arg5: memref<256x16xf32, #tpu.memory_space<vmem>>, %arg6: memref<1x256xf32, #tpu.memory_space<vmem>>, %arg7: memref<1x256xf32, #tpu.memory_space<vmem>>, %arg8: memref<512x256xf32, #tpu.memory_space<vmem>>, %arg9: memref<2x512xf32, #tpu.memory_space<vmem>>, %arg10: memref<64x512xf32, #tpu.memory_space<vmem>>, %arg11: memref<64x512xf32, #tpu.memory_space<vmem>>, %arg12: memref<1x512xf32, #tpu.memory_space<vmem>>, %arg13: memref<1x512xf32, #tpu.memory_space<vmem>>, %arg14: memref<1x512xf32, #tpu.memory_space<vmem>>, %arg15: memref<1x512xf32, #tpu.memory_space<vmem>>) attributes {dimension_semantics = [#tpu.dimension_semantics<arbitrary>], iteration_bounds = array<i64: 128>, scalar_prefetch = 0 : i64, scratch_operands = 2 : i64, tpu.core_type = #tpu.core_type<tc>, window_params = [{transform_indices = @transform_0, window_bounds = array<i64: 2048, 128>}, {transform_indices = @transform_1, window_bounds = array<i64: 2048, 16>}, {transform_indices = @transform_2, window_bounds = array<i64: 64, 16>}, {pipeline_mode = #tpu.pipeline_mode<synchronous>, transform_indices = @transform_3, window_bounds = array<i64: 256, 128>}, {pipeline_mode = #tpu.pipeline_mode<synchronous>, transform_indices = @transform_4, window_bounds = array<i64: 256, 16>}, {pipeline_mode = #tpu.pipeline_mode<synchronous>, transform_indices = @transform_5, window_bounds = array<i64: 1, 256>}, {pipeline_mode = #tpu.pipeline_mode<synchronous>, transform_indices = @transform_6, window_bounds = array<i64: 1, 256>}, {pipeline_mode = #tpu.pipeline_mode<synchronous>, transform_indices = @transform_7, window_bounds = array<i64: 512, 256>}, {pipeline_mode = #tpu.pipeline_mode<synchronous>, transform_indices = @transform_8, window_bounds = array<i64: 2, 512>}, {transform_indices = @transform_9, window_bounds = array<i64: 64, 512>}, {transform_indices = @transform_10, window_bounds = array<i64: 64, 512>}, {pipeline_mode = #tpu.pipeline_mode<synchronous>, transform_indices = @transform_11, window_bounds = array<i64: 1, 512>}, {pipeline_mode = #tpu.pipeline_mode<synchronous>, transform_indices = @transform_12, window_bounds = array<i64: 1, 512>}]} {
    %eq3A = arith.constant 0 : i32
    %eq3A_0 = arith.cmpi eq, %arg0, %eq3A : i32
    %convert_element_type3A = arith.extui %eq3A_0 : i1 to i32
    %cond3A = arith.constant 0 : i32
    %cond3A_1 = arith.cmpi ne, %convert_element_type3A, %cond3A : i32
    scf.if %cond3A_1 {
      %broadcast_in_dim3A_70 = arith.constant 0.000000e+00 : f32
      %broadcast_in_dim3A_71 = vector.broadcast %broadcast_in_dim3A_70 : f32 to vector<1x512xf32>
      %swap3A_72 = arith.constant 0 : index
      %swap3A_73 = arith.constant 0 : index
      %swap3A_74 = vector.load %arg14[%swap3A_72, %swap3A_73] : memref<1x512xf32, #tpu.memory_space<vmem>>, vector<1x512xf32>
      tpu.vector_store %arg14[%swap3A_72, %swap3A_73], %broadcast_in_dim3A_71 {strides = array<i32>} : memref<1x512xf32, #tpu.memory_space<vmem>>, vector<1x512xf32>,
      %broadcast_in_dim3A_75 = arith.constant 0.000000e+00 : f32
      %broadcast_in_dim3A_76 = vector.broadcast %broadcast_in_dim3A_75 : f32 to vector<1x512xf32>
      %swap3A_77 = arith.constant 0 : index
      %swap3A_78 = arith.constant 0 : index
      %swap3A_79 = vector.load %arg15[%swap3A_77, %swap3A_78] : memref<1x512xf32, #tpu.memory_space<vmem>>, vector<1x512xf32>
      tpu.vector_store %arg15[%swap3A_77, %swap3A_78], %broadcast_in_dim3A_76 {strides = array<i32>} : memref<1x512xf32, #tpu.memory_space<vmem>>, vector<1x512xf32>,
    } else {
    }
    %get3A = arith.constant 0 : index
    %get3A_2 = arith.constant 0 : index
    %get3A_3 = vector.load %arg2[%get3A, %get3A_2] : memref<2048x16xf32, #tpu.memory_space<vmem>>, vector<2048x16xf32>
    %reshape3A = vector.shape_cast %get3A_3 : vector<2048x16xf32> to vector<64x32x16xf32>
    %get3A_4 = arith.constant 0 : index
    %get3A_5 = arith.constant 0 : index
    %get3A_6 = vector.load %arg3[%get3A_4, %get3A_5] : memref<64x16xf32, #tpu.memory_space<vmem>>, vector<64x16xf32>
    %broadcast_in_dim3A = vector.shape_cast %get3A_6 : vector<64x16xf32> to vector<64x1x16xf32>
    %sub3A = vector.broadcast %broadcast_in_dim3A : vector<64x1x16xf32> to vector<64x32x16xf32>
    %sub3A_7 = arith.subf %reshape3A, %sub3A : vector<64x32x16xf32>
    %get3A_8 = arith.constant 0 : index
    %get3A_9 = arith.constant 0 : index
    %get3A_10 = vector.load %arg1[%get3A_8, %get3A_9] : memref<2048x128xf32, #tpu.memory_space<vmem>>, vector<2048x128xf32>
    %get3A_11 = arith.constant 0 : index
    %get3A_12 = arith.constant 0 : index
    %get3A_13 = vector.load %arg4[%get3A_11, %get3A_12] : memref<256x128xf32, #tpu.memory_space<vmem>>, vector<256x128xf32>
    %dot_general3A = arith.constant dense<0.000000e+00> : vector<2048x256xf32>
    %dot_general3A_14 = tpu.matmul %get3A_10, %get3A_13, %dot_general3A {dimension_numbers = #tpu.dot_dimension_numbers<[1], [1], [0], [0], [0, 0, 1, 0], [], []>, transpose_lhs_hint = false} : vector<2048x128xf32>, vector<256x128xf32>, vector<2048x256xf32> -> vector<2048x256xf32>
    %reshape3A_15 = vector.shape_cast %sub3A_7 : vector<64x32x16xf32> to vector<2048x16xf32>
    %get3A_16 = arith.constant 0 : index
    %get3A_17 = arith.constant 0 : index
    %get3A_18 = vector.load %arg5[%get3A_16, %get3A_17] : memref<256x16xf32, #tpu.memory_space<vmem>>, vector<256x16xf32>
    %dot_general3A_19 = arith.constant dense<0.000000e+00> : vector<2048x256xf32>
    %dot_general3A_20 = tpu.matmul %reshape3A_15, %get3A_18, %dot_general3A_19 {dimension_numbers = #tpu.dot_dimension_numbers<[1], [1], [0], [0], [0, 0, 1, 0], [], []>, transpose_lhs_hint = false} : vector<2048x16xf32>, vector<256x16xf32>, vector<2048x256xf32> -> vector<2048x256xf32>
    %add3A = arith.addf %dot_general3A_14, %dot_general3A_20 : vector<2048x256xf32>
    %get3A_21 = arith.constant 0 : index
    %get3A_22 = arith.constant 0 : index
    %get3A_23 = vector.load %arg6[%get3A_21, %get3A_22] : memref<1x256xf32, #tpu.memory_space<vmem>>, vector<1x256xf32>
    %mul3A = vector.broadcast %get3A_23 : vector<1x256xf32> to vector<2048x256xf32>
    %mul3A_24 = arith.mulf %add3A, %mul3A : vector<2048x256xf32>
    %get3A_25 = arith.constant 0 : index
    %get3A_26 = arith.constant 0 : index
    %get3A_27 = vector.load %arg7[%get3A_25, %get3A_26] : memref<1x256xf32, #tpu.memory_space<vmem>>, vector<1x256xf32>
    %add3A_28 = vector.broadcast %get3A_27 : vector<1x256xf32> to vector<2048x256xf32>
    %add3A_29 = arith.addf %mul3A_24, %add3A_28 : vector<2048x256xf32>
    %max3A = arith.constant 0.000000e+00 : f32
    %max3A_30 = vector.broadcast %max3A : f32 to vector<2048x256xf32>
    %max3A_31 = arith.maximumf %add3A_29, %max3A_30 : vector<2048x256xf32>
    %get3A_32 = arith.constant 0 : index
    %get3A_33 = arith.constant 0 : index
    %get3A_34 = vector.load %arg8[%get3A_32, %get3A_33] : memref<512x256xf32, #tpu.memory_space<vmem>>, vector<512x256xf32>
    %dot_general3A_35 = arith.constant dense<0.000000e+00> : vector<2048x512xf32>
    %dot_general3A_36 = tpu.matmul %max3A_31, %get3A_34, %dot_general3A_35 {dimension_numbers = #tpu.dot_dimension_numbers<[1], [1], [0], [0], [0, 0, 1, 0], [], []>, transpose_lhs_hint = false} : vector<2048x256xf32>, vector<512x256xf32>, vector<2048x512xf32> -> vector<2048x512xf32>
    %get3A_37 = arith.constant 0 : index
    %get3A_38 = arith.constant 0 : index
    %get3A_39 = vector.load %arg14[%get3A_37, %get3A_38] : memref<1x512xf32, #tpu.memory_space<vmem>>, vector<1x512xf32>
    %reduce_sum3A = arith.constant dense<0.000000e+00> : vector<512xf32>
    %reduce_sum3A_40 = vector.multi_reduction <add>, %dot_general3A_36, %reduce_sum3A [0] : vector<2048x512xf32> to vector<512xf32>
    %broadcast_in_dim3A_41 = vector.shape_cast %reduce_sum3A_40 : vector<512xf32> to vector<1x512xf32>
    %add3A_42 = arith.addf %get3A_39, %broadcast_in_dim3A_41 : vector<1x512xf32>
    %swap3A = arith.constant 0 : index
    %swap3A_43 = arith.constant 0 : index
    %swap3A_44 = vector.load %arg14[%swap3A, %swap3A_43] : memref<1x512xf32, #tpu.memory_space<vmem>>, vector<1x512xf32>
    tpu.vector_store %arg14[%swap3A, %swap3A_43], %add3A_42 {strides = array<i32>} : memref<1x512xf32, #tpu.memory_space<vmem>>, vector<1x512xf32>,
    %get3A_45 = arith.constant 0 : index
    %get3A_46 = arith.constant 0 : index
    %get3A_47 = vector.load %arg15[%get3A_45, %get3A_46] : memref<1x512xf32, #tpu.memory_space<vmem>>, vector<1x512xf32>
    %mul3A_48 = arith.mulf %dot_general3A_36, %dot_general3A_36 : vector<2048x512xf32>
    %reduce_sum3A_49 = arith.constant dense<0.000000e+00> : vector<512xf32>
    %reduce_sum3A_50 = vector.multi_reduction <add>, %mul3A_48, %reduce_sum3A_49 [0] : vector<2048x512xf32> to vector<512xf32>
    %broadcast_in_dim3A_51 = vector.shape_cast %reduce_sum3A_50 : vector<512xf32> to vector<1x512xf32>
    %add3A_52 = arith.addf %get3A_47, %broadcast_in_dim3A_51 : vector<1x512xf32>
    %swap3A_53 = arith.constant 0 : index
    %swap3A_54 = arith.constant 0 : index
    %swap3A_55 = vector.load %arg15[%swap3A_53, %swap3A_54] : memref<1x512xf32, #tpu.memory_space<vmem>>, vector<1x512xf32>
    tpu.vector_store %arg15[%swap3A_53, %swap3A_54], %add3A_52 {strides = array<i32>} : memref<1x512xf32, #tpu.memory_space<vmem>>, vector<1x512xf32>,
    %reshape3A_56 = vector.shape_cast %dot_general3A_36 : vector<2048x512xf32> to vector<64x32x512xf32>
    %reduce_max3A = arith.constant dense<0xFF800000> : vector<64x512xf32>
    %reduce_max3A_57 = vector.multi_reduction <maximumf>, %reshape3A_56, %reduce_max3A [1] : vector<64x32x512xf32> to vector<64x512xf32>
    %swap3A_58 = arith.constant 0 : index
    %swap3A_59 = arith.constant 0 : index
    %swap3A_60 = vector.load %arg10[%swap3A_58, %swap3A_59] : memref<64x512xf32, #tpu.memory_space<vmem>>, vector<64x512xf32>
    tpu.vector_store %arg10[%swap3A_58, %swap3A_59], %reduce_max3A_57 {strides = array<i32>} : memref<64x512xf32, #tpu.memory_space<vmem>>, vector<64x512xf32>,
    %reduce_min3A = arith.constant dense<0x7F800000> : vector<64x512xf32>
    %reduce_min3A_61 = vector.multi_reduction <minimumf>, %reshape3A_56, %reduce_min3A [1] : vector<64x32x512xf32> to vector<64x512xf32>
    %swap3A_62 = arith.constant 0 : index
    %swap3A_63 = arith.constant 0 : index
    %swap3A_64 = vector.load %arg11[%swap3A_62, %swap3A_63] : memref<64x512xf32, #tpu.memory_space<vmem>>, vector<64x512xf32>
    tpu.vector_store %arg11[%swap3A_62, %swap3A_63], %reduce_min3A_61 {strides = array<i32>} : memref<64x512xf32, #tpu.memory_space<vmem>>, vector<64x512xf32>,
    %eq3A_65 = arith.constant 127 : i32
    %eq3A_66 = arith.cmpi eq, %arg0, %eq3A_65 : i32
    %convert_element_type3A_67 = arith.extui %eq3A_66 : i1 to i32
    %cond3A_68 = arith.constant 0 : i32
    %cond3A_69 = arith.cmpi ne, %convert_element_type3A_67, %cond3A_68 : i32
    scf.if %cond3A_69 {
      %get3A_70 = arith.constant 0 : index
      %get3A_71 = arith.constant 0 : index
      %get3A_72 = vector.load %arg14[%get3A_70, %get3A_71] : memref<1x512xf32, #tpu.memory_space<vmem>>, vector<1x512xf32>
      %div3A = arith.constant 2.621440e+05 : f32
      %div3A_73 = vector.broadcast %div3A : f32 to vector<1x512xf32>
      %div3A_74 = arith.divf %get3A_72, %div3A_73 : vector<1x512xf32>
      %get3A_75 = arith.constant 0 : index
      %get3A_76 = arith.constant 0 : index
      %get3A_77 = vector.load %arg15[%get3A_75, %get3A_76] : memref<1x512xf32, #tpu.memory_space<vmem>>, vector<1x512xf32>
      %div3A_78 = arith.constant 2.621440e+05 : f32
      %div3A_79 = vector.broadcast %div3A_78 : f32 to vector<1x512xf32>
      %div3A_80 = arith.divf %get3A_77, %div3A_79 : vector<1x512xf32>
      %mul3A_81 = arith.mulf %div3A_74, %div3A_74 : vector<1x512xf32>
      %sub3A_82 = arith.subf %div3A_80, %mul3A_81 : vector<1x512xf32>
      %add3A_83 = arith.constant 9.99999974E-6 : f32
      %add3A_84 = vector.broadcast %add3A_83 : f32 to vector<1x512xf32>
      %add3A_85 = arith.addf %sub3A_82, %add3A_84 : vector<1x512xf32>
      %rsqrt3A = math.rsqrt %add3A_85 : vector<1x512xf32>
      %get3A_86 = arith.constant 0 : index
      %get3A_87 = arith.constant 0 : index
      %get3A_88 = vector.load %arg9[%get3A_86, %get3A_87] : memref<2x512xf32, #tpu.memory_space<vmem>>, vector<1x512xf32>
      %mul3A_89 = arith.mulf %get3A_88, %rsqrt3A : vector<1x512xf32>
      %swap3A_90 = arith.constant 0 : index
      %swap3A_91 = arith.constant 0 : index
      %swap3A_92 = vector.load %arg12[%swap3A_90, %swap3A_91] : memref<1x512xf32, #tpu.memory_space<vmem>>, vector<1x512xf32>
      tpu.vector_store %arg12[%swap3A_90, %swap3A_91], %mul3A_89 {strides = array<i32>} : memref<1x512xf32, #tpu.memory_space<vmem>>, vector<1x512xf32>,
      %get3A_93 = arith.constant 1 : index
      %get3A_94 = arith.constant 0 : index
      %get3A_95 = vector.load %arg9[%get3A_93, %get3A_94] : memref<2x512xf32, #tpu.memory_space<vmem>>, vector<1x512xf32>
      %mul3A_96 = arith.mulf %div3A_74, %mul3A_89 : vector<1x512xf32>
      %sub3A_97 = arith.subf %get3A_95, %mul3A_96 : vector<1x512xf32>
      %swap3A_98 = arith.constant 0 : index
      %swap3A_99 = arith.constant 0 : index
      %swap3A_100 = vector.load %arg13[%swap3A_98, %swap3A_99] : memref<1x512xf32, #tpu.memory_space<vmem>>, vector<1x512xf32>
      tpu.vector_store %arg13[%swap3A_98, %swap3A_99], %sub3A_97 {strides = array<i32>} : memref<1x512xf32, #tpu.memory_space<vmem>>, vector<1x512xf32>,
    } else {
    }
    return
  }
  func.func @transform_0(%arg0: i32) -> (i32, i32) {
    %c0_i32 = arith.constant 0 : i32
    %c0_i32_0 = arith.constant 0 : i32
    return %arg0, %c0_i32 : i32, i32
  }
  func.func @transform_1(%arg0: i32) -> (i32, i32) {
    %c0_i32 = arith.constant 0 : i32
    %c0_i32_0 = arith.constant 0 : i32
    return %arg0, %c0_i32 : i32, i32
  }
  func.func @transform_2(%arg0: i32) -> (i32, i32) {
    %c0_i32 = arith.constant 0 : i32
    %c0_i32_0 = arith.constant 0 : i32
    return %arg0, %c0_i32 : i32, i32
  }
  func.func @transform_3(%arg0: i32) -> (i32, i32) {
    %c0_i32 = arith.constant 0 : i32
    %c0_i32_0 = arith.constant 0 : i32
    %c0_i32_1 = arith.constant 0 : i32
    return %c0_i32, %c0_i32_0 : i32, i32
  }
  func.func @transform_4(%arg0: i32) -> (i32, i32) {
    %c0_i32 = arith.constant 0 : i32
    %c0_i32_0 = arith.constant 0 : i32
    %c0_i32_1 = arith.constant 0 : i32
    return %c0_i32, %c0_i32_0 : i32, i32
  }
  func.func @transform_5(%arg0: i32) -> (i32, i32) {
    %c0_i32 = arith.constant 0 : i32
    %c0_i32_0 = arith.constant 0 : i32
    %c0_i32_1 = arith.constant 0 : i32
    return %c0_i32, %c0_i32_0 : i32, i32
  }
  func.func @transform_6(%arg0: i32) -> (i32, i32) {
    %c0_i32 = arith.constant 0 : i32
    %c0_i32_0 = arith.constant 0 : i32
    %c0_i32_1 = arith.constant 0 : i32
    return %c0_i32, %c0_i32_0 : i32, i32
  }
  func.func @transform_7(%arg0: i32) -> (i32, i32) {
    %c0_i32 = arith.constant 0 : i32
    %c0_i32_0 = arith.constant 0 : i32
    %c0_i32_1 = arith.constant 0 : i32
    return %c0_i32, %c0_i32_0 : i32, i32
  }
  func.func @transform_8(%arg0: i32) -> (i32, i32) {
    %c0_i32 = arith.constant 0 : i32
    %c0_i32_0 = arith.constant 0 : i32
    %c0_i32_1 = arith.constant 0 : i32
    return %c0_i32, %c0_i32_0 : i32, i32
  }
  func.func @transform_9(%arg0: i32) -> (i32, i32) {
    %c0_i32 = arith.constant 0 : i32
    %c0_i32_0 = arith.constant 0 : i32
    return %arg0, %c0_i32 : i32, i32
  }
  func.func @transform_10(%arg0: i32) -> (i32, i32) {
    %c0_i32 = arith.constant 0 : i32
    %c0_i32_0 = arith.constant 0 : i32
    return %arg0, %c0_i32 : i32, i32
  }
  func.func @transform_11(%arg0: i32) -> (i32, i32) {
    %c0_i32 = arith.constant 0 : i32
    %c0_i32_0 = arith.constant 0 : i32
    %c0_i32_1 = arith.constant 0 : i32
    return %c0_i32, %c0_i32_0 : i32, i32
  }
  func.func @transform_12(%arg0: i32) -> (i32, i32) {
    %c0_i32 = arith.constant 0 : i32
    %c0_i32_0 = arith.constant 0 : i32
    %c0_i32_1 = arith.constant 0 : i32
    return %c0_i32, %c0_i32_0 : i32, i32
  }
}

module attributes {stable_mosaic.version = 14 : i64} {
  func.func @_finish_body(%arg0: i32, %arg1: memref<1024x512xf32, #tpu.memory_space<vmem>>, %arg2: memref<1024x512xf32, #tpu.memory_space<vmem>>, %arg3: memref<1x512xf32, #tpu.memory_space<vmem>>, %arg4: memref<1x512xf32, #tpu.memory_space<vmem>>, %arg5: memref<1024x512xf32, #tpu.memory_space<vmem>>) attributes {dimension_semantics = [#tpu.dimension_semantics<arbitrary>], iteration_bounds = array<i64: 8>, scalar_prefetch = 0 : i64, scratch_operands = 0 : i64, tpu.core_type = #tpu.core_type<tc>, window_params = [{transform_indices = @transform_0, window_bounds = array<i64: 1024, 512>}, {transform_indices = @transform_1, window_bounds = array<i64: 1024, 512>}, {pipeline_mode = #tpu.pipeline_mode<synchronous>, transform_indices = @transform_2, window_bounds = array<i64: 1, 512>}, {pipeline_mode = #tpu.pipeline_mode<synchronous>, transform_indices = @transform_3, window_bounds = array<i64: 1, 512>}, {transform_indices = @transform_4, window_bounds = array<i64: 1024, 512>}]} {
    %get3A = arith.constant 0 : index
    %get3A_0 = arith.constant 0 : index
    %get3A_1 = vector.load %arg3[%get3A, %get3A_0] : memref<1x512xf32, #tpu.memory_space<vmem>>, vector<1x512xf32>
    %ge3A = arith.constant 0.000000e+00 : f32
    %ge3A_2 = vector.broadcast %ge3A : f32 to vector<1x512xf32>
    %ge3A_3 = arith.cmpf oge, %get3A_1, %ge3A_2 : vector<1x512xf32>
    %get3A_4 = arith.constant 0 : index
    %get3A_5 = arith.constant 0 : index
    %get3A_6 = vector.load %arg1[%get3A_4, %get3A_5] : memref<1024x512xf32, #tpu.memory_space<vmem>>, vector<1024x512xf32>
    %get3A_7 = arith.constant 0 : index
    %get3A_8 = arith.constant 0 : index
    %get3A_9 = vector.load %arg2[%get3A_7, %get3A_8] : memref<1024x512xf32, #tpu.memory_space<vmem>>, vector<1024x512xf32>
    %broadcast_in_dim3A = vector.shape_cast %ge3A_3 : vector<1x512xi1> to vector<1x512xi1>
    %broadcast_in_dim3A_10 = vector.broadcast %broadcast_in_dim3A : vector<1x512xi1> to vector<1024x512xi1>
    %select_n3A = arith.select %broadcast_in_dim3A_10, %get3A_6, %get3A_9 : vector<1024x512xi1>, vector<1024x512xf32>
    %mul3A = vector.broadcast %get3A_1 : vector<1x512xf32> to vector<1024x512xf32>
    %mul3A_11 = arith.mulf %select_n3A, %mul3A : vector<1024x512xf32>
    %get3A_12 = arith.constant 0 : index
    %get3A_13 = arith.constant 0 : index
    %get3A_14 = vector.load %arg4[%get3A_12, %get3A_13] : memref<1x512xf32, #tpu.memory_space<vmem>>, vector<1x512xf32>
    %add3A = vector.broadcast %get3A_14 : vector<1x512xf32> to vector<1024x512xf32>
    %add3A_15 = arith.addf %mul3A_11, %add3A : vector<1024x512xf32>
    %max3A = arith.constant 0.000000e+00 : f32
    %max3A_16 = vector.broadcast %max3A : f32 to vector<1024x512xf32>
    %max3A_17 = arith.maximumf %add3A_15, %max3A_16 : vector<1024x512xf32>
    %swap3A = arith.constant 0 : index
    %swap3A_18 = arith.constant 0 : index
    %swap3A_19 = vector.load %arg5[%swap3A, %swap3A_18] : memref<1024x512xf32, #tpu.memory_space<vmem>>, vector<1024x512xf32>
    tpu.vector_store %arg5[%swap3A, %swap3A_18], %max3A_17 {strides = array<i32>} : memref<1024x512xf32, #tpu.memory_space<vmem>>, vector<1024x512xf32>,
    return
  }
  func.func @transform_0(%arg0: i32) -> (i32, i32) {
    %c0_i32 = arith.constant 0 : i32
    %c0_i32_0 = arith.constant 0 : i32
    return %arg0, %c0_i32 : i32, i32
  }
  func.func @transform_1(%arg0: i32) -> (i32, i32) {
    %c0_i32 = arith.constant 0 : i32
    %c0_i32_0 = arith.constant 0 : i32
    return %arg0, %c0_i32 : i32, i32
  }
  func.func @transform_2(%arg0: i32) -> (i32, i32) {
    %c0_i32 = arith.constant 0 : i32
    %c0_i32_0 = arith.constant 0 : i32
    %c0_i32_1 = arith.constant 0 : i32
    return %c0_i32, %c0_i32_0 : i32, i32
  }
  func.func @transform_3(%arg0: i32) -> (i32, i32) {
    %c0_i32 = arith.constant 0 : i32
    %c0_i32_0 = arith.constant 0 : i32
    %c0_i32_1 = arith.constant 0 : i32
    return %c0_i32, %c0_i32_0 : i32, i32
  }
  func.func @transform_4(%arg0: i32) -> (i32, i32) {
    %c0_i32 = arith.constant 0 : i32
    %c0_i32_0 = arith.constant 0 : i32
    return %arg0, %c0_i32 : i32, i32
  }
}

</mosaic_0001>

<sc_bundles>
// kernel: kernel.8.cloned.1.call-start
scs
__scs_entry_jumppad:
0x0: {  	(pc) =	sbr.rel $0x88, $3  }
0x1: {  	(tag) =	ssettag $0x0;
	lr =	simm.s32 $0x1  }
0x2: {  	[smem:$0x3F99] =	sst lr;
	_ =	strace $0xD0000000  }
0x3: {  	_ = 	snop  }
0x4: {  	_ = 	snop  }
0x5: {  	_ = 	snop  }
0x6: {  	_ = 	snop  }
0x7: {  	_ = 	snop  }
__scs_overlays_trampoline_lowered:
0x8: {  	[smem:$0x3FA8] =	sst s0  }
0x9: {  	[smem:$0x3FA9] =	sst s1  }
0xa: {  	[smem:$0x3FAA] =	sst s2  }
0xb: {  	[smem:$0x3FAB] =	sst s3  }
0xc: {  	[smem:$0x3FAC] =	sst s4  }
0xd: {  	[smem:$0x3FAD] =	sst s5  }
0xe: {  	[smem:$0x3FAE] =	sst s6  }
0xf: {  	[smem:$0x3FAF] =	sst s7  }
0x10: {  	[smem:$0x3FB0] =	sst s8  }
0x11: {  	[smem:$0x3FB1] =	sst s9;
	s0 =	simm.s32 @!p0 $0x0  }
0x12: {  	s1 =	sld [smem:$0x3F97];
	s0 =	simm.s32 @p0 $0x1  }
0x13: {  	[smem:$0x3FB2] =	sst s0;
	s0 =	simm.s32 @!p1 $0x0  }
0x14: {  	s2 =	sld [smem:$0x3F96];
	s0 =	simm.s32 @p1 $0x1  }
0x15: {  	[smem:$0x3FB3] =	sst s0;
	s0 =	simm.s32 @!p2 $0x0  }
0x16: {  	s3 =	sld [smem:$0x3FDB];
	s0 =	simm.s32 @p2 $0x1  }
0x17: {  	s4 =	simm.s32 $0x1BF5;
	[smem:$0x3FB5] =	sst s0  }
0x18: {  	s0 =	sld [smem:$0x3F98];
	_ =	swait.ge [sflag:s4], $0x0  }
0x19: {  	s7 =	sld [smem:$0x3F99]  }
0x1a: {  	s8 =	sadd.s32 $0xFFFFE003, lr  }
0x1b: {  	s9 =	sadd.s32 $0xFFFFFEF7, lr;
	s5 =	simm.s32 $0xFFFFFFFF;
	p2 =	slt.u32 s8, $0xFFFFF086  }
0x1c: {  	p1 =	slt.u32 s9, $0xF7A;
	s5 =	simm.s32 @!p2 $0x0  }
0x1d: {  	s5 =	simm.s32 @p1 $0x1;
	p0 =	seq.s32 s7, s2  }
0x1e: {  	s7 =	smul.u32 @!p0 $0xF7A, s2;
	p2 =	seq.s32 @!p0 s5, $0x0  }
0x1f: {  	s9 =	smul.u32 $0xF7A, s1;
	s8 =	simm.s32 @!p0 $0x1BF5;
	p2 =	por !p2, p0  }
0x20: {  	[sflag:s8] =	ssyncset.s32 @!p0 $0xFFFFF086;
	s6 =	sadd.s32 @!p0 s3, s7;
	s7 =	simm.s32 @!p0 $0x108  }
0x21: {  	s3 =	sadd.s32 s3, s9;
	s6 =	sadd.s32 @!p0 $0x88, s6;
	s7 =	simm.s32 @p2 $0x1082  }
0x22: {  	[simem:s7], [sflag:s8] =	dma.local @!p0 [hbm:s6], $0xF7A  }
0x23: {  	s9 =	sor.u32 $0xD0000000, s2;
	s6 =	simm.s32 $0x108;
	_ =	swait.ge @!p0 [sflag:s8], $0x0  }
0x24: {  	s3 =	sadd.s32 $0x88, s3;
	s6 =	simm.s32 @!p1 $0x1082;
	[sflag:s4] =	ssyncset.s32 $0xFFFFF086  }
0x25: {  	[simem:s6], [sflag:s4] =	dma.local [hbm:s3], $0xF7A  }
0x26: {  	[smem:$0x3F99] =	sst s1;
	(tag) =	ssettag s2;
	_ =	strace s9  }
0x27: {  	s1 =	sld [smem:$0x3FA9]  }
0x28: {  	s2 =	sld [smem:$0x3FAA]  }
0x29: {  	s4 =	sld [smem:$0x3FAC]  }
0x2a: {  	p0 =	seq.s32 s5, $0x0;
	s5 =	sld [smem:$0x3FAD]  }
0x2b: {  	s6 =	sld [smem:$0x3FAE]  }
0x2c: {  	s7 =	sld [smem:$0x3FAF]  }
0x2d: {  	s3 =	simm.s32 $0x108;
	s8 =	sld [smem:$0x3FB0]  }
0x2e: {  	s3 =	simm.s32 @!p0 $0x1082;
	s9 =	sld [smem:$0x3FB1]  }
0x2f: {  	lr =	sadd.s32 s0, s3;
	s0 =	sld [smem:$0x3FA8]  }
0x30: {  	s3 =	sld [smem:$0x3FAB]  }
0x31: {  	[smem:$0x3FB4] =	sst s10  }
0x32: {  	s10 =	sld [smem:$0x3FB2];
	_ =	sdelay $0x3  }
0x33: {  	p0 =	seq.s32 s10, $0x1;
	s10 =	sld [smem:$0x3FB4];
	_ =	sdelay $0x3  }
0x34: {  	[smem:$0x3FB4] =	sst s10  }
0x35: {  	s10 =	sld [smem:$0x3FB3];
	_ =	sdelay $0x3  }
0x36: {  	p1 =	seq.s32 s10, $0x1;
	s10 =	sld [smem:$0x3FB4];
	_ =	sdelay $0x3  }
0x37: {  	[smem:$0x3FB4] =	sst s10  }
0x38: {  	s10 =	sld [smem:$0x3FB5]  }
0x39: {  	_ = 	snop;
	(pc) =	sbr.ind lr, $3  }
0x3a: {  	_ = 	snop  }
0x3b: {  	_ = 	snop  }
0x3c: {  	p2 =	seq.s32 s10, $0x1;
	s10 =	sld [smem:$0x3FB4]  }
0x3d: {  	_ =	shalt  }
0x3e: {  	_ =	shalt  }
0x3f: {  	_ =	shalt  }
0x40: {  	_ =	shalt  }
0x41: {  	_ =	shalt  }
0x42: {  	_ =	shalt  }
0x43: {  	_ =	shalt  }
0x44: {  	_ =	shalt  }
0x45: {  	_ =	shalt  }
0x46: {  	_ =	shalt  }
0x47: {  	_ =	shalt  }
0x48: {  	_ =	shalt  }
0x49: {  	_ =	shalt  }
0x4a: {  	_ =	shalt  }
0x4b: {  	_ =	shalt  }
0x4c: {  	_ =	shalt  }
0x4d: {  	_ =	shalt  }
0x4e: {  	_ =	shalt  }
0x4f: {  	_ =	shalt  }
0x50: {  	_ =	shalt  }
0x51: {  	_ =	shalt  }
0x52: {  	_ =	shalt  }
0x53: {  	_ =	shalt  }
0x54: {  	_ =	shalt  }
0x55: {  	_ =	shalt  }
0x56: {  	_ =	shalt  }
0x57: {  	_ =	shalt  }
0x58: {  	_ =	shalt  }
0x59: {  	_ =	shalt  }
0x5a: {  	_ =	shalt  }
0x5b: {  	_ =	shalt  }
0x5c: {  	_ =	shalt  }
0x5d: {  	_ =	shalt  }
0x5e: {  	_ =	shalt  }
0x5f: {  	_ =	shalt  }
0x60: {  	_ =	shalt  }
0x61: {  	_ =	shalt  }
0x62: {  	_ =	shalt  }
0x63: {  	_ =	shalt  }
0x64: {  	_ =	shalt  }
0x65: {  	_ =	shalt  }
0x66: {  	_ =	shalt  }
0x67: {  	_ =	shalt  }
0x68: {  	_ =	shalt  }
0x69: {  	_ =	shalt  }
0x6a: {  	_ =	shalt  }
0x6b: {  	_ =	shalt  }
0x6c: {  	_ =	shalt  }
0x6d: {  	_ =	shalt  }
0x6e: {  	_ =	shalt  }
0x6f: {  	_ =	shalt  }
0x70: {  	_ =	shalt  }
0x71: {  	_ =	shalt  }
0x72: {  	_ =	shalt  }
0x73: {  	_ =	shalt  }
0x74: {  	_ =	shalt  }
0x75: {  	_ =	shalt  }
0x76: {  	_ =	shalt  }
0x77: {  	_ =	shalt  }
0x78: {  	_ =	shalt  }
0x79: {  	_ =	shalt  }
0x7a: {  	_ =	shalt  }
0x7b: {  	_ =	shalt  }
0x7c: {  	_ =	shalt  }
0x7d: {  	_ =	shalt  }
0x7e: {  	_ =	shalt  }
0x7f: {  	_ =	shalt  }
0x80: {  	_ =	shalt  }
0x81: {  	_ =	shalt  }
0x82: {  	_ =	shalt  }
0x83: {  	_ =	shalt  }
0x84: {  	_ =	shalt  }
0x85: {  	_ =	shalt  }
0x86: {  	_ =	shalt  }
0x87: {  	_ =	shalt  }
.Lfunc_end0:
.L_simem_size_0:
called_computation_lowered:
.L_overlay_start_0:
0x88: {  	s2 =	sld [smem:$0x3FD9]  }
0x89: {  	s3 =	sld [smem:$0x3FFE];
	_ =	sdelay $0x1  }
0x8a: {  	s1 =	srdreg.scid  }
0x8b: {  	s0 =	sand.u32 $0x1, s1  }
0x8c: {  	s14 =	sshll.u32 s0, $0xA;
	s2 =	sadd.s32 s3, s2  }
0x8d: {  	s2 =	sadd.s32 s2, s14  }
0x8e: {  	[smem:$0x3FC0] =	sst s2  }
0x8f: {  	_ = 	snop  }
0x90: {  	s2 =	sld [smem:$0x3FD0];
	_ =	sdelay $0x2  }
0x91: {  	s4 =	simm.s32 $0xA;
	s5 =	simm.s32 $0x10;
	s15 =	sld [smem:$0x3FC8]  }
0x92: {  	[smem:s5], [sflag:s4] =	dma.local [hbm:s2], $0x1  }
0x93: {  	_ =	swait.eq [sflag:s4], $0x1  }
0x94: {  	[sflag:s4] =	ssyncset.done $0x0  }
0x95: {  	[sflag:s4] =	ssyncadd.s32 $0xFFFFFFFF  }
0x96: {  	s16 =	sld [smem:$0x11];
	(tm) =	ssettm $0x1  }
0x97: {  	s17 =	sld [smem:$0x3FFB];
	_ =	sdelay $0x3  }
0x98: {  	_ =	strace s17  }
0x99: {  	s4 =	sld [smem:$0x3FFC];
	_ =	sdelay $0x3  }
0x9a: {  	_ =	strace s4  }
0x9b: {  	s4 =	sld [smem:$0x3FFD];
	_ =	sdelay $0x3  }
0x9c: {  	_ =	strace s4  }
0x9d: {  	_ =	strace $0x8FFFFFFF  }
0x9e: {  	s18 =	sld [smem:$0x3FDB];
	_ =	sdelay $0x1  }
0x9f: {  	s19 =	simm.s32 $_scs_section_size  }
0xa0: {  	s6 =	simm.s32 $_size__tile_overlayer_lowered;
	s7 =	simm.s32 $_tile_overlayer_lowered  }
0xa1: {  	s22 =	simm.s32 $0x1BFF;
	s21 =	sshll.u32 s7, $0x1;
	s4 =	sadd.s32 s19, s18  }
0xa2: {  	s8 =	simm.s32 $0x0;
	s20 =	sshll.u32 s6, $0x1;
	s6 =	sadd.s32 s21, s4  }
0xa3: {  	[timem:s8], [sflag:s22] =	dma.local [hbm:s6], s20  }
0xa4: {  	_ =	swait.ge [sflag:s22], s20  }
0xa5: {  	s5 =	ssub.s32 $0x0, s20;
	[sflag:s22] =	ssyncset.done $0x0  }
0xa6: {  	[sflag:s22] =	ssyncadd.s32 s5;
	_ =	sdelay $0x1  }
0xa7: {  	s23 =	simm.s32 $0x1B8B  }
0xa8: {  	_ =	swait.ge [sflag:s23], $0x1  }
0xa9: {  	[sflag:s23] =	ssyncset.done $0x0  }
0xaa: {  	s25 =	simm.s32 $0x1B8E;
	s24 =	sld [smem:$0x3FFE];
	[sflag:s23] =	ssyncadd.s32 $0xFFFFFFFF  }
0xab: {  	s26 =	simm.s32 $execute0_lowered;
	[smem:$0x3FD2] =	sst s25  }
0xac: {  	s6 =	sshll.u32 s26, $0x1;
	_ =	strace $0x80000046;
	[dreg:$0x1] =	wrdreg $0xFFFFFFFF  }
0xad: {  	s28 =	simm.s32 $_size_execute0_lowered;
	s4 =	sadd.s32 s4, s6;
	[dreg:$0x0] =	wrdreg $0x0  }
0xae: {  	s6 =	sshll.u32 s28, $0x1;
	[dreg:$0x2] =	wrdreg s4  }
0xaf: {  	[dreg:$0x3] =	wrdreg s6  }
0xb0: {  	[dreg:$0x4] =	wrdreg $0xC0  }
0xb1: {  	_ =	task [dreg:s8], $0x5FFFF  }
0xb2: {  	[dreg:$0x1] =	wrdreg $0xFFFFFFFF  }
0xb3: {  	[dreg:$0x0] =	wrdreg $0x60  }
0xb4: {  	[dreg:$0x2] =	wrdreg s15  }
0xb5: {  	[dreg:$0x3] =	wrdreg s24  }
0xb6: {  	[dreg:$0x4] =	wrdreg s16  }
0xb7: {  	[dreg:$0x5] =	wrdreg $0x9  }
0xb8: {  	_ =	task.clear_ibuf [dreg:s8], $0x6FFFF;
	_ =	strace $0x90000046  }
0xb9: {  	s29 =	simm.s32 $0x9;
	_ =	strace $0x80000048  }
0xba: {  	_ =	swait.ge [sflag:s29], $0x1  }
0xbb: {  	[sflag:s29] =	ssyncadd.s32 $0xFFFFFFFF  }
0xbc: {  	_ =	strace $0x90000048  }
0xbd: {  	_ =	sfence  }
0xbe: {  	s30 =	sld [smem:$0x0];
	_ =	sdelay $0x2  }
0xbf: {  	s31 =	sshll.u32 s1, $0xD;
	s1 =	sshrl.u32 s1, $0x2  }
0xc0: {  	s3 =	sand.u32 $0x4000, s31;
	s1 =	sadd.s32 s1, s30  }
0xc1: {  	s0 =	sor.u32 s3, s0;
	s1 =	sshll.u32 s1, $0x11  }
0xc2: {  	s0 =	sor.u32 s1, s0  }
0xc3: {  	s0 =	sadd.s32 $0x8F2B, s0  }
0xc4: {  	[sflag:s0] =	ssyncadd.remote.s32 $0x1  }
0xc5: {  	_ =	sfence.sel $0xFFFF  }
0xc6: {  	[dreg:$0x0] =	wrdreg $0xFFFFFFFF;
	(pc) =	sbr.abs _section_cstart, $3  }
0xc7: {  	[dreg:$0x1] =	wrdreg $0xFFFFFFFF  }
0xc8: {  	_ =	task.clear_ibuf [dreg:s8], $0x2FFFF;
	_ =	strace $0x9FFFFFFF  }
0xc9: {  	(tm) =	ssettm $0x7FFFFFFF  }
tec
execute0_lowered:
.L_overlay_start_1:
0x0: {  	(tag) =	ssettag $0x1  }
0x1: {  	s1 =	rddreg [dreg:$0x0]  }
0x2: {  	s5 =	rddreg [dreg:$0x1]  }
0x3: {  	s6 =	rddreg [dreg:$0x2]  }
0x4: {  	s0 =	rddreg [dreg:$0x3]  }
0x5: {  	s3 =	simm.s32 $0x0;
	s4 =	srdreg.scid;
	s2 =	stileid.u32  }
0x6: {  	s13 =	simm.s32 $0x8100;
	s14 =	simm.s32 $0x4100;
	s15 =	simm.s32 $0x8900  }
0x7: {  	s16 =	simm.s32 $0x2;
	s17 =	simm.s32 $0x3;
	s18 =	simm.s32 $0x4  }
0x8: {  	s19 =	simm.s32 $0x0;
	[smem:$0x7FF] =	sst s3;
	s7 =	sand.u32 $0x1, s4  }
0x9: {  	s4 =	sadd.s32 $0xA600, s5;
	s8 =	sshll.u32 s2, $0x12;
	s10 =	sadd.s32 $0x2600, s5  }
0xa: {  	s29 =	sshll.u32 s2, $0xE;
	s11 =	sshll.u32 s2, $0xF;
	_ =	strace $0x80000047  }
0xb: {  	s9 =	ssub.s32 $0x2, s7;
	s8 =	sadd.s32 s8, s5;
	s12 =	sshll.u32 s7, $0xD  }
0xc: {  	s6 =	sadd.s32 s11, s6;
	s30 =	sshll.u32 s7, $0xE;
	s7 =	sshll.u32 s7, $0x11  }
0xd: {  	s11 =	simm.s32 $0x1;
	s28 =	sshrl.u32 s9, $0x1;
	s6 =	sadd.s32 s30, s6  }
0xe: {  	s7 =	sadd.s32 s7, s8;
	s5 =	ssub.s32 s9, s28;
	s9 =	sor.u32 s12, s29  }
0xf: {  	s7 =	sadd.s32 $0x1AE00, s7;
	s12 =	simm.s32 $0x100;
	s31 =	sor.u32 $0x80, s9  }
0x10: {  	s5 =	smax.u32 s5, $0x1;
	s9 =	sshrl.u32 s9, $0x3;
	s8 =	sshrl.u32 s31, $0x3  }
0x11: {  	s9 =	sadd.s32 s9, s10;
	s8 =	sadd.s32 s8, s10;
	s10 =	simm.s32 $0x80  }
.LBB2_1:
0x12: {  	[tilespmem:s3], [sflag:$0x1] =	stream.linear.gather [hbm4b:s9+s3], $0x80, $0x38;
	[tilespmem:$0x9100] =	vst v63  }
0x13: {  	_ = 	snop  }
0x14: {  	[tilespmem:s10], [sflag:$0x1] =	stream.linear.gather [hbm4b:s8+s3], $0x80, $0x38;
	[tilespmem:$0x9100] =	vst v63  }
0x15: {  	_ =	swait.ge [sflag:s11], $0x80  }
0x16: {  	[sflag:s11] =	ssyncset.done $0x0  }
0x17: {  	[sflag:s11] =	ssyncadd.s32 $0xFFFFFF80  }
0x18: {  	[tilespmem:s12], [sflag:$0x2] =	stream.indirect.gather [hbm4b:s1+s10], $0x80, s3, s10, $0xb8;
	[tilespmem:$0x9100] =	vst v63  }
0x19: {  	_ = 	snop  }
0x1a: {  	[tilespmem:s13], [sflag:$0x2] =	stream.indirect.gather [hbm4b:s4+s10], $0x10, s3, s10, $0xb8;
	[tilespmem:$0x9100] =	vst v63  }
0x1b: {  	_ =	swait.ge [sflag:s11], $0x80  }
0x1c: {  	[sflag:s11] =	ssyncset.done $0x0  }
0x1d: {  	[sflag:s11] =	ssyncadd.s32 $0xFFFFFF80  }
0x1e: {  	[tilespmem:s14], [sflag:$0x3] =	stream.indirect.gather [hbm4b:s1+s10], $0x80, s10, s10, $0xb8;
	[tilespmem:$0x9100] =	vst v63  }
0x1f: {  	_ = 	snop  }
0x20: {  	[tilespmem:s15], [sflag:$0x3] =	stream.indirect.gather [hbm4b:s4+s10], $0x10, s10, s10, $0xb8;
	[tilespmem:$0x9100] =	vst v63  }
0x21: {  	_ =	swait.ge [sflag:s16], $0x4000  }
0x22: {  	[sflag:s16] =	ssyncset.done $0x0  }
0x23: {  	[sflag:s16] =	ssyncadd.s32 $0xFFFFC000  }
0x24: {  	_ =	swait.ge [sflag:s16], $0x800  }
0x25: {  	[sflag:s16] =	ssyncset.done $0x0  }
0x26: {  	s20 =	sadd.s32 $0xFFFFF800, s7;
	[sflag:s16] =	ssyncadd.s32 $0xFFFFF800  }
0x27: {  	[hbm4b:s20+s3] =	stream.linear.scatter [tilespmem:s12], [sflag:$0x4], $0x4000, $0x38;
	[tilespmem:$0x9100] =	vst v63  }
0x28: {  	s31 =	sadd.s32 $0x0, s6  }
0x29: {  	[hbm4b:s31+s3] =	stream.linear.scatter [tilespmem:s13], [sflag:$0x4], $0x800, $0x38;
	[tilespmem:$0x9100] =	vst v63  }
0x2a: {  	_ =	swait.ge [sflag:s17], $0x4000  }
0x2b: {  	[sflag:s17] =	ssyncset.done $0x0  }
0x2c: {  	[sflag:s17] =	ssyncadd.s32 $0xFFFFC000  }
0x2d: {  	_ =	swait.ge [sflag:s17], $0x800  }
0x2e: {  	[sflag:s17] =	ssyncset.done $0x0  }
0x2f: {  	[sflag:s17] =	ssyncadd.s32 $0xFFFFF800  }
0x30: {  	[hbm4b:s7+s3] =	stream.linear.scatter [tilespmem:s14], [sflag:$0x4], $0x4000, $0x38;
	[tilespmem:$0x9100] =	vst v63  }
0x31: {  	s20 =	sadd.s32 $0x100, s31  }
0x32: {  	[hbm4b:s20+s3] =	stream.linear.scatter [tilespmem:s15], [sflag:$0x4], $0x800, $0x38;
	[tilespmem:$0x9100] =	vst v63  }
0x33: {  	_ =	swait.ge [sflag:s18], $0x4000  }
0x34: {  	[sflag:s18] =	ssyncset.done $0x0  }
0x35: {  	[sflag:s18] =	ssyncadd.s32 $0xFFFFC000  }
0x36: {  	_ =	swait.ge [sflag:s18], $0x800  }
0x37: {  	[sflag:s18] =	ssyncset.done $0x0  }
0x38: {  	[sflag:s18] =	ssyncadd.s32 $0xFFFFF800  }
0x39: {  	_ =	swait.ge [sflag:s18], $0x4000  }
0x3a: {  	[sflag:s18] =	ssyncset.done $0x0  }
0x3b: {  	[sflag:s18] =	ssyncadd.s32 $0xFFFFC000  }
0x3c: {  	s21 =	sadd.s32 $0x20, s9;
	s22 =	smov.u32 s7;
	_ =	swait.ge [sflag:s18], $0x800  }
0x3d: {  	s23 =	smov.u32 s8;
	s20 =	simm.s32 $0x200;
	[sflag:s18] =	ssyncset.done $0x0  }
.LBB2_2:
0x3e: {  	[sflag:s18] =	ssyncadd.s32 $0xFFFFF800;
	s22 =	sadd.s32 $0x1000, s22;
	s23 =	sadd.s32 $0x20, s23  }
0x3f: {  	[tilespmem:s3], [sflag:$0x1] =	stream.linear.gather [hbm4b:s21+s3], $0x80, $0x38;
	[tilespmem:$0x9100] =	vst v63  }
0x40: {  	p0 =	sne.s32 s20, $0x3E00;
	s24 =	smov.u32 s20;
	s20 =	sadd.s32 $0x200, s20  }
0x41: {  	[tilespmem:s10], [sflag:$0x1] =	stream.linear.gather [hbm4b:s23+s3], $0x80, $0x38;
	[tilespmem:$0x9100] =	vst v63  }
0x42: {  	_ =	swait.ge [sflag:s11], $0x80  }
0x43: {  	[sflag:s11] =	ssyncset.done $0x0  }
0x44: {  	[sflag:s11] =	ssyncadd.s32 $0xFFFFFF80  }
0x45: {  	[tilespmem:s12], [sflag:$0x2] =	stream.indirect.gather [hbm4b:s1+s10], $0x80, s3, s10, $0xb8;
	[tilespmem:$0x9100] =	vst v63  }
0x46: {  	_ = 	snop  }
0x47: {  	[tilespmem:s13], [sflag:$0x2] =	stream.indirect.gather [hbm4b:s4+s10], $0x10, s3, s10, $0xb8;
	[tilespmem:$0x9100] =	vst v63  }
0x48: {  	_ =	swait.ge [sflag:s11], $0x80  }
0x49: {  	[sflag:s11] =	ssyncset.done $0x0  }
0x4a: {  	[sflag:s11] =	ssyncadd.s32 $0xFFFFFF80  }
0x4b: {  	[tilespmem:s14], [sflag:$0x3] =	stream.indirect.gather [hbm4b:s1+s10], $0x80, s10, s10, $0xb8;
	[tilespmem:$0x9100] =	vst v63  }
0x4c: {  	_ = 	snop  }
0x4d: {  	[tilespmem:s15], [sflag:$0x3] =	stream.indirect.gather [hbm4b:s4+s10], $0x10, s10, s10, $0xb8;
	[tilespmem:$0x9100] =	vst v63  }
0x4e: {  	_ =	swait.ge [sflag:s16], $0x4000  }
0x4f: {  	[sflag:s16] =	ssyncset.done $0x0  }
0x50: {  	[sflag:s16] =	ssyncadd.s32 $0xFFFFC000  }
0x51: {  	_ =	swait.ge [sflag:s16], $0x800  }
0x52: {  	[sflag:s16] =	ssyncset.done $0x0  }
0x53: {  	s25 =	sadd.s32 $0xFFFFF800, s22;
	[sflag:s16] =	ssyncadd.s32 $0xFFFFF800  }
0x54: {  	[hbm4b:s25+s3] =	stream.linear.scatter [tilespmem:s12], [sflag:$0x4], $0x4000, $0x38;
	[tilespmem:$0x9100] =	vst v63  }
0x55: {  	s24 =	sadd.s32 s24, s6  }
0x56: {  	[hbm4b:s24+s3] =	stream.linear.scatter [tilespmem:s13], [sflag:$0x4], $0x800, $0x38;
	[tilespmem:$0x9100] =	vst v63  }
0x57: {  	_ =	swait.ge [sflag:s17], $0x4000  }
0x58: {  	[sflag:s17] =	ssyncset.done $0x0  }
0x59: {  	[sflag:s17] =	ssyncadd.s32 $0xFFFFC000  }
0x5a: {  	_ =	swait.ge [sflag:s17], $0x800  }
0x5b: {  	[sflag:s17] =	ssyncset.done $0x0  }
0x5c: {  	[sflag:s17] =	ssyncadd.s32 $0xFFFFF800  }
0x5d: {  	[hbm4b:s22+s3] =	stream.linear.scatter [tilespmem:s14], [sflag:$0x4], $0x4000, $0x38;
	[tilespmem:$0x9100] =	vst v63  }
0x5e: {  	s24 =	sadd.s32 $0x100, s24  }
0x5f: {  	[hbm4b:s24+s3] =	stream.linear.scatter [tilespmem:s15], [sflag:$0x4], $0x800, $0x38;
	[tilespmem:$0x9100] =	vst v63  }
0x60: {  	_ =	swait.ge [sflag:s18], $0x4000  }
0x61: {  	[sflag:s18] =	ssyncset.done $0x0  }
0x62: {  	[sflag:s18] =	ssyncadd.s32 $0xFFFFC000  }
0x63: {  	_ =	swait.ge [sflag:s18], $0x800  }
0x64: {  	[sflag:s18] =	ssyncset.done $0x0  }
0x65: {  	[sflag:s18] =	ssyncadd.s32 $0xFFFFF800  }
.Ltmp0:
0x66: {  	_ =	swait.ge [sflag:s18], $0x4000;
	(pc) =	sbr.rel @p0 .LBB2_2-.Ltmp0, $4  }
0x67: {  	[sflag:s18] =	ssyncset.done $0x0  }
0x68: {  	[sflag:s18] =	ssyncadd.s32 $0xFFFFC000  }
0x69: {  	_ =	swait.ge [sflag:s18], $0x800  }
0x6a: {  	s21 =	sadd.s32 $0x20, s21;
	[sflag:s18] =	ssyncset.done $0x0  }
0x6b: {  	s19 =	sadd.s32 $0x1, s19  }
0x6c: {  	p0 =	sne.s32 s19, s5  }
.Ltmp1:
0x6d: {  	_ = 	snop;
	(pc) =	sbr.rel @p0 .LBB2_1-.Ltmp1, $2  }
0x6e: {  	_ =	sdelay $0x2  }
0x6f: {  	[sflag:s18] =	ssyncadd.s32 $0xFFFFF800  }
0x70: {  	_ =	sfence.sel $0x180000  }
0x71: {  	[bflag:$0x0] =	sbarrier.arrive $0xFFFF  }
0x72: {  	p0 =	sne.s32 s2, $0x0;
	_ =	strace $0x90000047  }
0x73: {  	s0 =	sadd.s32 @!p0 $0x100000, s0;
	[bflag:$0x2] =	sbarrier.arrive $0xFFFF  }
0x74: {  	[sflag:s0] =	ssyncadd.tile.s32 @!p0 $0x1;
	_ =	shalt  }
.Lfunc_end2:
_tile_overlayer_lowered:
.L_overlay_start_2:
0x75: {  	(tag) =	ssettag $0x2  }
0x76: {  	s0 =	rddreg [dreg:$0x0];
	s2 =	stileid.u32  }
0x77: {  	s1 =	rddreg [dreg:$0x1];
	p0 =	sne.s32 s2, $0x0  }
0x78: {  	s3 =	rddreg [dreg:$0x2];
	[bflag:$0x3] =	sbarrier.arrive $0xFFFF;
	s2 =	simm.s32 @!p0 $0x1C05  }
0x79: {  	[timem:s3], [sflag:s2] =	dma.local @!p0 [hbm:s0], s1  }
0x7a: {  	s0 =	simm.s32 @!p0 $0x5  }
0x7b: {  	_ =	swait.ge @!p0 [sflag:s0], s1  }
0x7c: {  	s1 =	ssub.s32 @!p0 $0x0, s1;
	[sflag:s0] =	ssyncset.done @!p0 $0x0  }
0x7d: {  	[sflag:s0] =	ssyncadd.s32 @!p0 s1  }
0x7e: {  	[bflag:$0x3] =	sbarrier.arrive $0xFFFF  }
0x7f: {  	_ =	shalt  }

</sc_bundles>
